<compile_context>
chip_gen: v7x
topology: tpu7x:2x2x1
jax: 0.10.2.dev20260603
libtpu: 0.0.44.dev20260713+nightly
codegen_flags: <defaults>
</compile_context>

<pallas_src>
import functools

import jax
import jax.numpy as jnp
from jax import lax
from jax.experimental import pallas as pl
from jax.experimental.pallas import tpu as pltpu
from jax.experimental.pallas import tpu_sc as plsc

N = 50000
D = 256
G = 2000
DIM_OUT_ = 10
LANES = 16
COUNT_COL = 10

NW = 32
CHUNK = 128
CPW = 13
NPW = CHUNK * CPW
NPAD = NW * NPW

ROWS_TC = 4096
GRID_TC = NPAD // ROWS_TC
LAST_IN_BLOCK = (N - 1) // ROWS_TC


def _dense_body(h1_ref, h2_ref, x_ref, w_ref, p_ref):
    i = pl.program_id(0)
    m = jnp.maximum(jnp.maximum(h1_ref[...], h2_ref[...]), x_ref[...])
    p10 = jnp.dot(m, w_ref[...], preferred_element_type=jnp.float32)
    pad = jnp.zeros((p10.shape[0], LANES - DIM_OUT_), jnp.float32)
    lane = lax.broadcasted_iota(jnp.int32, pad.shape, 1)
    pad = pad + (lane == 0).astype(jnp.float32)
    p = jnp.concatenate([p10, pad], axis=1)
    row = lax.broadcasted_iota(jnp.int32, p.shape, 0)
    p = jnp.where(i * ROWS_TC + row < N, p, 0.0)
    p_ref[...] = jnp.concatenate(
        [p, jnp.zeros((p.shape[0], 128 - LANES), jnp.float32)], axis=1)


def _dense(h1, h2, x, w):
    in_map = lambda i: (jnp.minimum(i, LAST_IN_BLOCK), 0)
    return pl.pallas_call(
        _dense_body,
        grid=(GRID_TC,),
        in_specs=[
            pl.BlockSpec((ROWS_TC, D), in_map),
            pl.BlockSpec((ROWS_TC, D), in_map),
            pl.BlockSpec((ROWS_TC, D), in_map),
            pl.BlockSpec((D, DIM_OUT_), lambda i: (0, 0)),
        ],
        out_specs=pl.BlockSpec((ROWS_TC, 128), lambda i: (i, 0)),
        out_shape=jax.ShapeDtypeStruct((NPAD, 128), jnp.float32),
    )(h1, h2, x, w)


def _sc_segsum(p3, idx3, zeros):
    mesh = plsc.VectorSubcoreMesh(core_axis_name="c", subcore_axis_name="s")

    @functools.partial(
        pl.kernel,
        out_type=jax.ShapeDtypeStruct((2, G, LANES), jnp.float32),
        mesh=mesh,
        scratch_types=[
            pltpu.VMEM((NPW, LANES), jnp.float32),
            pltpu.VMEM((CPW, CHUNK), jnp.int32),
            pltpu.VMEM_SHARED((G, LANES), jnp.float32),
            pltpu.SemaphoreType.DMA,
        ],
        compiler_params=pltpu.CompilerParams(use_tc_tiling_on_sc=False),
    )
    def k(p_hbm, idx_hbm, z_hbm, out_hbm, p_v, idx_v, acc_sh, sem):
        cid = lax.axis_index("c")
        sid = lax.axis_index("s")
        wid = sid * 2 + cid

        @pl.when(sid == 0)
        def _():
            pltpu.sync_copy(z_hbm, acc_sh)

        plsc.subcore_barrier()
        loads = [
            pltpu.async_copy(
                p_hbm.at[pl.ds(wid * NPW, NPW), pl.ds(0, LANES)], p_v, sem)
        ] + [
            pltpu.async_copy(
                idx_hbm.at[pl.ds(wid * NPW + j * CHUNK, CHUNK)],
                idx_v.at[j], sem)
            for j in range(CPW)
        ]
        for c in loads:
            c.wait()
        copies = [
            pltpu.async_copy(p_v.at[pl.ds(j * CHUNK, CHUNK)],
                             acc_sh.at[idx_v.at[j]], sem, add=True)
            for j in range(CPW)
        ]
        for c in copies:
            c.wait()
        plsc.subcore_barrier()

        @pl.when(sid == 0)
        def _():
            pltpu.sync_copy(acc_sh, out_hbm.at[cid])

    return k(p3, idx3, zeros)


GP = G // 8


def _ep_body(acc_ref, b_ref, out_ref):
    a = acc_ref[:GP] + acc_ref[GP:]
    lane = lax.broadcasted_iota(jnp.int32, a.shape, 1)
    masked = jnp.where(lane % LANES == COUNT_COL, a, 0.0)
    li = lax.broadcasted_iota(jnp.int32, (128, 128), 0)
    lo = lax.broadcasted_iota(jnp.int32, (128, 128), 1)
    bd = (li // LANES == lo // LANES).astype(jnp.float32)
    cnt = jnp.dot(masked, bd, preferred_element_type=jnp.float32)
    r = a / jnp.maximum(cnt, 1.0)
    gi = lax.broadcasted_iota(jnp.int32, (G, GP), 0)
    gc = lax.broadcasted_iota(jnp.int32, (G, GP), 1)
    sel = (gi // 8 == gc).astype(jnp.float32)
    rrep = jnp.dot(sel, r, preferred_element_type=jnp.float32)
    row = lax.broadcasted_iota(jnp.int32, (G, LANES), 0)
    out = jnp.zeros((G, LANES), jnp.float32)
    el = lax.broadcasted_iota(jnp.int32, (128, LANES), 0)
    ec = lax.broadcasted_iota(jnp.int32, (128, LANES), 1)
    for k in range(8):
        ek = (el == k * LANES + ec).astype(jnp.float32)
        tk = jnp.dot(rrep, ek, preferred_element_type=jnp.float32)
        out = jnp.where(row % 8 == k, tk, out)
    bpad = jnp.concatenate(
        [b_ref[...], jnp.zeros((1, LANES - DIM_OUT_), jnp.float32)], axis=1)
    out_ref[...] = (out + bpad)[:, :DIM_OUT_]


def _epilogue(acc, b2):
    return pl.pallas_call(
        _ep_body,
        in_specs=[
            pl.BlockSpec((2 * GP, 128), lambda: (0, 0)),
            pl.BlockSpec((1, DIM_OUT_), lambda: (0, 0)),
        ],
        out_specs=pl.BlockSpec((G, DIM_OUT_), lambda: (0, 0)),
        out_shape=jax.ShapeDtypeStruct((G, DIM_OUT_), jnp.float32),
    )(acc, b2)


def kernel(h0, h1, h2, x, batch_idx, y, W, b):
    p = _dense(h1, h2, x, W)
    idx = jnp.pad(batch_idx.astype(jnp.int32), (0, NPAD - N))
    zeros = jnp.zeros((G, LANES), jnp.float32)
    partials = _sc_segsum(p, idx, zeros)
    pred = _epilogue(partials.reshape(2 * GP, 128), b.reshape(1, DIM_OUT_))
    return pred, y

# --- scband reference (transcript-rebuilt; emitter-appended) ---
"""Pipeline reference for scband-gnngraph-head-jk-48533130445031 (READ-ONLY COPY).

The authoritative reference and input builder live on the scoring server;
editing this copy changes nothing except your own understanding.
"""

import jax, jax.numpy as jnp
import numpy as np

N = 50000
D = 256
G = 2000
DIM_OUT = 10


def setup_inputs(seed: int = 0) -> dict:
    key = jax.random.key(seed)
    ks = jax.random.split(key, 8)
    h0 = jax.random.normal(ks[0], (N, D), dtype=jnp.float32)
    h1 = jax.random.normal(ks[1], (N, D), dtype=jnp.float32)
    h2 = jax.random.normal(ks[2], (N, D), dtype=jnp.float32)
    x = jax.random.normal(ks[3], (N, D), dtype=jnp.float32)
    batch_idx = jnp.sort(jax.random.randint(ks[4], (N,), 0, G)).astype(jnp.int64)
    y = jax.random.normal(ks[5], (G, DIM_OUT), dtype=jnp.float32)
    # post_mp MLP parameters (layers_post_mp=1 -> single Linear(dim_in, dim_out), has_bias=True, has_act=False)
    W = jax.random.normal(ks[6], (D, DIM_OUT), dtype=jnp.float32) * (1.0 / np.sqrt(D))
    b = jnp.zeros((DIM_OUT,), dtype=jnp.float32)
    return {"h0": h0, "h1": h1, "h2": h2, "x": x, "batch_idx": batch_idx, "y": y, "W": W, "b": b}


def reference(h0, h1, h2, x, batch_idx, y, W, b):
    # cfg.gnn.head = 'max' (JK max aggregation), cfg.model.graph_pooling = 'mean'
    # h = h[1:] + [batch.x]
    hs = [h0, h1, h2]
    hs = hs[1:] + [x]
    # JumpingKnowledge('max'): element-wise max over the M layer embeddings
    h_jk = jnp.max(jnp.stack(hs, axis=0), axis=0)
    # mean graph pooling over batch assignment vector
    sums = jax.ops.segment_sum(h_jk, batch_idx, num_segments=G)
    counts = jax.ops.segment_sum(jnp.ones((h_jk.shape[0], 1), dtype=h_jk.dtype), batch_idx, num_segments=G)
    graph_emb = sums / jnp.clip(counts, 1.0, None)
    # post message-passing MLP (single linear layer)
    pred = graph_emb @ W + b
    # _apply_index returns (batch.graph_feature, batch.y)
    return (pred, y)

if __name__ == "__main__":
    import jax
    _d = setup_inputs()
    print(jax.jit(kernel)(*tuple(_d.values())))

</pallas_src>

<mosaic_0001>
#map = affine_map<(d0, d1) -> (0, 0)>
#map1 = affine_map<(d0, d1) -> (0)>
#map2 = affine_map<(d0, d1) -> (0, 0, 0)>
module attributes {stable_mosaic.version = 14 : i64} {
  func.func @k(%arg0: i32, %arg1: i32, %arg2: memref<53248x128xf32, #tpu.memory_space<hbm>>, %arg3: memref<53248xi32, #tpu.memory_space<hbm>>, %arg4: memref<2000x16xf32, #tpu.memory_space<hbm>>, %arg5: memref<2x2000x16xf32, #tpu.memory_space<hbm>>, %arg6: memref<1664x16xf32, #tpu.memory_space<vmem>>, %arg7: memref<13x128xi32, #tpu.memory_space<vmem>>, %arg8: memref<2000x16xf32, #tpu.memory_space<vmem_shared>>, %arg9: memref<!tpu.dma_semaphore, #tpu.memory_space<semaphore_mem>>) attributes {dimension_semantics = [#tpu.dimension_semantics<core_parallel>, #tpu.dimension_semantics<subcore_parallel>], iteration_bounds = array<i64: 2, 16>, scalar_prefetch = 0 : i64, scratch_operands = 4 : i64, tpu.core_type = #tpu.core_type<sc_vector_subcore>, window_params = [{transform_indices = #map}, {transform_indices = #map1}, {transform_indices = #map}, {transform_indices = #map2}]} {
    %mul3A = arith.constant 2 : i32
    %mul3A_0 = arith.muli %arg1, %mul3A : i32
    %add3A = arith.addi %mul3A_0, %arg0 : i32
    %eq3A = arith.constant 0 : i32
    %eq3A_1 = arith.cmpi eq, %arg1, %eq3A : i32
    %convert_element_type3A = arith.extui %eq3A_1 : i1 to i32
    %cond3A = arith.constant 0 : i32
    %cond3A_2 = arith.cmpi ne, %convert_element_type3A, %cond3A : i32
    scf.if %cond3A_2 {
      "tpu.region"() ({
        %run_scoped3A = tpu.sem_alloc : memref<!tpu.dma_semaphore, #tpu.memory_space<semaphore_mem>>
        tpu.enqueue_dma source(%arg4 : memref<2000x16xf32, #tpu.memory_space<hbm>>) target(%arg8 : memref<2000x16xf32, #tpu.memory_space<vmem_shared>>) target_semaphore(%run_scoped3A : memref<!tpu.dma_semaphore, #tpu.memory_space<semaphore_mem>>)
        tpu.wait_dma2 semaphore(%run_scoped3A : memref<!tpu.dma_semaphore, #tpu.memory_space<semaphore_mem>>) src(%arg4 : memref<2000x16xf32, #tpu.memory_space<hbm>>) dst(%arg8 : memref<2000x16xf32, #tpu.memory_space<vmem_shared>>)
        tpu.yield
      }) : () -> ()
    } else {
    }
    %barrier3A = arith.constant 0 : index
    tpu.barrier barrier_id(%barrier3A)
    %mul3A_3 = arith.constant 1664 : i32
    %mul3A_4 = arith.muli %add3A, %mul3A_3 : i32
    %dma_start3A = arith.constant 0 : i32
    %dma_start3A_5 = tpu.memref_slice %arg2[%mul3A_4, %dma_start3A] : memref<53248x128xf32, #tpu.memory_space<hbm>> -> memref<1664x16xf32, #tpu.memory_space<hbm>>
    %dma_start3A_6 = arith.constant 0 : i32
    %dma_start3A_7 = tpu.memref_slice %arg2[%mul3A_4, %dma_start3A_6] : memref<53248x128xf32, #tpu.memory_space<hbm>> -> memref<1664x16xf32, #tpu.memory_space<hbm>>
    tpu.enqueue_dma source(%dma_start3A_7 : memref<1664x16xf32, #tpu.memory_space<hbm>>) target(%arg6 : memref<1664x16xf32, #tpu.memory_space<vmem>>) target_semaphore(%arg9 : memref<!tpu.dma_semaphore, #tpu.memory_space<semaphore_mem>>)
    %mul3A_8 = arith.constant 1664 : i32
    %mul3A_9 = arith.muli %add3A, %mul3A_8 : i32
    %add3A_10 = arith.constant 0 : i32
    %add3A_11 = arith.addi %mul3A_9, %add3A_10 : i32
    %dma_start3A_12 = arith.constant 0 : i32
    %dma_start3A_13 = arith.constant 0 : i32
    %dma_start3A_14 = tpu.memref_slice %arg7[%dma_start3A_12, %dma_start3A_13] : memref<13x128xi32, #tpu.memory_space<vmem>> -> memref<1x128xi32, #tpu.memory_space<vmem>>
    %dma_start3A_15 = tpu.memref_squeeze %dma_start3A_14 : memref<1x128xi32, #tpu.memory_space<vmem>> -> memref<128xi32, #tpu.memory_space<vmem>>
    %dma_start3A_16 = tpu.memref_slice %arg3[%add3A_11] : memref<53248xi32, #tpu.memory_space<hbm>> -> memref<128xi32, #tpu.memory_space<hbm>>
    %dma_start3A_17 = arith.constant 0 : i32
    %dma_start3A_18 = tpu.memref_slice %arg7[%dma_start3A_12, %dma_start3A_17] : memref<13x128xi32, #tpu.memory_space<vmem>> -> memref<1x128xi32, #tpu.memory_space<vmem>>
    %dma_start3A_19 = tpu.memref_squeeze %dma_start3A_18 : memref<1x128xi32, #tpu.memory_space<vmem>> -> memref<128xi32, #tpu.memory_space<vmem>>
    %dma_start3A_20 = tpu.memref_slice %arg3[%add3A_11] : memref<53248xi32, #tpu.memory_space<hbm>> -> memref<128xi32, #tpu.memory_space<hbm>>
    tpu.enqueue_dma source(%dma_start3A_20 : memref<128xi32, #tpu.memory_space<hbm>>) target(%dma_start3A_19 : memref<128xi32, #tpu.memory_space<vmem>>) target_semaphore(%arg9 : memref<!tpu.dma_semaphore, #tpu.memory_space<semaphore_mem>>)
    %mul3A_21 = arith.constant 1664 : i32
    %mul3A_22 = arith.muli %add3A, %mul3A_21 : i32
    %add3A_23 = arith.constant 128 : i32
    %add3A_24 = arith.addi %mul3A_22, %add3A_23 : i32
    %dma_start3A_25 = arith.constant 1 : i32
    %dma_start3A_26 = arith.constant 0 : i32
    %dma_start3A_27 = tpu.memref_slice %arg7[%dma_start3A_25, %dma_start3A_26] : memref<13x128xi32, #tpu.memory_space<vmem>> -> memref<1x128xi32, #tpu.memory_space<vmem>>
    %dma_start3A_28 = tpu.memref_squeeze %dma_start3A_27 : memref<1x128xi32, #tpu.memory_space<vmem>> -> memref<128xi32, #tpu.memory_space<vmem>>
    %dma_start3A_29 = tpu.memref_slice %arg3[%add3A_24] : memref<53248xi32, #tpu.memory_space<hbm>> -> memref<128xi32, #tpu.memory_space<hbm>>
    %dma_start3A_30 = arith.constant 0 : i32
    %dma_start3A_31 = tpu.memref_slice %arg7[%dma_start3A_25, %dma_start3A_30] : memref<13x128xi32, #tpu.memory_space<vmem>> -> memref<1x128xi32, #tpu.memory_space<vmem>>
    %dma_start3A_32 = tpu.memref_squeeze %dma_start3A_31 : memref<1x128xi32, #tpu.memory_space<vmem>> -> memref<128xi32, #tpu.memory_space<vmem>>
    %dma_start3A_33 = tpu.memref_slice %arg3[%add3A_24] : memref<53248xi32, #tpu.memory_space<hbm>> -> memref<128xi32, #tpu.memory_space<hbm>>
    tpu.enqueue_dma source(%dma_start3A_33 : memref<128xi32, #tpu.memory_space<hbm>>) target(%dma_start3A_32 : memref<128xi32, #tpu.memory_space<vmem>>) target_semaphore(%arg9 : memref<!tpu.dma_semaphore, #tpu.memory_space<semaphore_mem>>)
    %mul3A_34 = arith.constant 1664 : i32
    %mul3A_35 = arith.muli %add3A, %mul3A_34 : i32
    %add3A_36 = arith.constant 256 : i32
    %add3A_37 = arith.addi %mul3A_35, %add3A_36 : i32
    %dma_start3A_38 = arith.constant 2 : i32
    %dma_start3A_39 = arith.constant 0 : i32
    %dma_start3A_40 = tpu.memref_slice %arg7[%dma_start3A_38, %dma_start3A_39] : memref<13x128xi32, #tpu.memory_space<vmem>> -> memref<1x128xi32, #tpu.memory_space<vmem>>
    %dma_start3A_41 = tpu.memref_squeeze %dma_start3A_40 : memref<1x128xi32, #tpu.memory_space<vmem>> -> memref<128xi32, #tpu.memory_space<vmem>>
    %dma_start3A_42 = tpu.memref_slice %arg3[%add3A_37] : memref<53248xi32, #tpu.memory_space<hbm>> -> memref<128xi32, #tpu.memory_space<hbm>>
    %dma_start3A_43 = arith.constant 0 : i32
    %dma_start3A_44 = tpu.memref_slice %arg7[%dma_start3A_38, %dma_start3A_43] : memref<13x128xi32, #tpu.memory_space<vmem>> -> memref<1x128xi32, #tpu.memory_space<vmem>>
    %dma_start3A_45 = tpu.memref_squeeze %dma_start3A_44 : memref<1x128xi32, #tpu.memory_space<vmem>> -> memref<128xi32, #tpu.memory_space<vmem>>
    %dma_start3A_46 = tpu.memref_slice %arg3[%add3A_37] : memref<53248xi32, #tpu.memory_space<hbm>> -> memref<128xi32, #tpu.memory_space<hbm>>
    tpu.enqueue_dma source(%dma_start3A_46 : memref<128xi32, #tpu.memory_space<hbm>>) target(%dma_start3A_45 : memref<128xi32, #tpu.memory_space<vmem>>) target_semaphore(%arg9 : memref<!tpu.dma_semaphore, #tpu.memory_space<semaphore_mem>>)
    %mul3A_47 = arith.constant 1664 : i32
    %mul3A_48 = arith.muli %add3A, %mul3A_47 : i32
    %add3A_49 = arith.constant 384 : i32
    %add3A_50 = arith.addi %mul3A_48, %add3A_49 : i32
    %dma_start3A_51 = arith.constant 3 : i32
    %dma_start3A_52 = arith.constant 0 : i32
    %dma_start3A_53 = tpu.memref_slice %arg7[%dma_start3A_51, %dma_start3A_52] : memref<13x128xi32, #tpu.memory_space<vmem>> -> memref<1x128xi32, #tpu.memory_space<vmem>>
    %dma_start3A_54 = tpu.memref_squeeze %dma_start3A_53 : memref<1x128xi32, #tpu.memory_space<vmem>> -> memref<128xi32, #tpu.memory_space<vmem>>
    %dma_start3A_55 = tpu.memref_slice %arg3[%add3A_50] : memref<53248xi32, #tpu.memory_space<hbm>> -> memref<128xi32, #tpu.memory_space<hbm>>
    %dma_start3A_56 = arith.constant 0 : i32
    %dma_start3A_57 = tpu.memref_slice %arg7[%dma_start3A_51, %dma_start3A_56] : memref<13x128xi32, #tpu.memory_space<vmem>> -> memref<1x128xi32, #tpu.memory_space<vmem>>
    %dma_start3A_58 = tpu.memref_squeeze %dma_start3A_57 : memref<1x128xi32, #tpu.memory_space<vmem>> -> memref<128xi32, #tpu.memory_space<vmem>>
    %dma_start3A_59 = tpu.memref_slice %arg3[%add3A_50] : memref<53248xi32, #tpu.memory_space<hbm>> -> memref<128xi32, #tpu.memory_space<hbm>>
    tpu.enqueue_dma source(%dma_start3A_59 : memref<128xi32, #tpu.memory_space<hbm>>) target(%dma_start3A_58 : memref<128xi32, #tpu.memory_space<vmem>>) target_semaphore(%arg9 : memref<!tpu.dma_semaphore, #tpu.memory_space<semaphore_mem>>)
    %mul3A_60 = arith.constant 1664 : i32
    %mul3A_61 = arith.muli %add3A, %mul3A_60 : i32
    %add3A_62 = arith.constant 512 : i32
    %add3A_63 = arith.addi %mul3A_61, %add3A_62 : i32
    %dma_start3A_64 = arith.constant 4 : i32
    %dma_start3A_65 = arith.constant 0 : i32
    %dma_start3A_66 = tpu.memref_slice %arg7[%dma_start3A_64, %dma_start3A_65] : memref<13x128xi32, #tpu.memory_space<vmem>> -> memref<1x128xi32, #tpu.memory_space<vmem>>
    %dma_start3A_67 = tpu.memref_squeeze %dma_start3A_66 : memref<1x128xi32, #tpu.memory_space<vmem>> -> memref<128xi32, #tpu.memory_space<vmem>>
    %dma_start3A_68 = tpu.memref_slice %arg3[%add3A_63] : memref<53248xi32, #tpu.memory_space<hbm>> -> memref<128xi32, #tpu.memory_space<hbm>>
    %dma_start3A_69 = arith.constant 0 : i32
    %dma_start3A_70 = tpu.memref_slice %arg7[%dma_start3A_64, %dma_start3A_69] : memref<13x128xi32, #tpu.memory_space<vmem>> -> memref<1x128xi32, #tpu.memory_space<vmem>>
    %dma_start3A_71 = tpu.memref_squeeze %dma_start3A_70 : memref<1x128xi32, #tpu.memory_space<vmem>> -> memref<128xi32, #tpu.memory_space<vmem>>
    %dma_start3A_72 = tpu.memref_slice %arg3[%add3A_63] : memref<53248xi32, #tpu.memory_space<hbm>> -> memref<128xi32, #tpu.memory_space<hbm>>
    tpu.enqueue_dma source(%dma_start3A_72 : memref<128xi32, #tpu.memory_space<hbm>>) target(%dma_start3A_71 : memref<128xi32, #tpu.memory_space<vmem>>) target_semaphore(%arg9 : memref<!tpu.dma_semaphore, #tpu.memory_space<semaphore_mem>>)
    %mul3A_73 = arith.constant 1664 : i32
    %mul3A_74 = arith.muli %add3A, %mul3A_73 : i32
    %add3A_75 = arith.constant 640 : i32
    %add3A_76 = arith.addi %mul3A_74, %add3A_75 : i32
    %dma_start3A_77 = arith.constant 5 : i32
    %dma_start3A_78 = arith.constant 0 : i32
    %dma_start3A_79 = tpu.memref_slice %arg7[%dma_start3A_77, %dma_start3A_78] : memref<13x128xi32, #tpu.memory_space<vmem>> -> memref<1x128xi32, #tpu.memory_space<vmem>>
    %dma_start3A_80 = tpu.memref_squeeze %dma_start3A_79 : memref<1x128xi32, #tpu.memory_space<vmem>> -> memref<128xi32, #tpu.memory_space<vmem>>
    %dma_start3A_81 = tpu.memref_slice %arg3[%add3A_76] : memref<53248xi32, #tpu.memory_space<hbm>> -> memref<128xi32, #tpu.memory_space<hbm>>
    %dma_start3A_82 = arith.constant 0 : i32
    %dma_start3A_83 = tpu.memref_slice %arg7[%dma_start3A_77, %dma_start3A_82] : memref<13x128xi32, #tpu.memory_space<vmem>> -> memref<1x128xi32, #tpu.memory_space<vmem>>
    %dma_start3A_84 = tpu.memref_squeeze %dma_start3A_83 : memref<1x128xi32, #tpu.memory_space<vmem>> -> memref<128xi32, #tpu.memory_space<vmem>>
    %dma_start3A_85 = tpu.memref_slice %arg3[%add3A_76] : memref<53248xi32, #tpu.memory_space<hbm>> -> memref<128xi32, #tpu.memory_space<hbm>>
    tpu.enqueue_dma source(%dma_start3A_85 : memref<128xi32, #tpu.memory_space<hbm>>) target(%dma_start3A_84 : memref<128xi32, #tpu.memory_space<vmem>>) target_semaphore(%arg9 : memref<!tpu.dma_semaphore, #tpu.memory_space<semaphore_mem>>)
    %mul3A_86 = arith.constant 1664 : i32
    %mul3A_87 = arith.muli %add3A, %mul3A_86 : i32
    %add3A_88 = arith.constant 768 : i32
    %add3A_89 = arith.addi %mul3A_87, %add3A_88 : i32
    %dma_start3A_90 = arith.constant 6 : i32
    %dma_start3A_91 = arith.constant 0 : i32
    %dma_start3A_92 = tpu.memref_slice %arg7[%dma_start3A_90, %dma_start3A_91] : memref<13x128xi32, #tpu.memory_space<vmem>> -> memref<1x128xi32, #tpu.memory_space<vmem>>
    %dma_start3A_93 = tpu.memref_squeeze %dma_start3A_92 : memref<1x128xi32, #tpu.memory_space<vmem>> -> memref<128xi32, #tpu.memory_space<vmem>>
    %dma_start3A_94 = tpu.memref_slice %arg3[%add3A_89] : memref<53248xi32, #tpu.memory_space<hbm>> -> memref<128xi32, #tpu.memory_space<hbm>>
    %dma_start3A_95 = arith.constant 0 : i32
    %dma_start3A_96 = tpu.memref_slice %arg7[%dma_start3A_90, %dma_start3A_95] : memref<13x128xi32, #tpu.memory_space<vmem>> -> memref<1x128xi32, #tpu.memory_space<vmem>>
    %dma_start3A_97 = tpu.memref_squeeze %dma_start3A_96 : memref<1x128xi32, #tpu.memory_space<vmem>> -> memref<128xi32, #tpu.memory_space<vmem>>
    %dma_start3A_98 = tpu.memref_slice %arg3[%add3A_89] : memref<53248xi32, #tpu.memory_space<hbm>> -> memref<128xi32, #tpu.memory_space<hbm>>
    tpu.enqueue_dma source(%dma_start3A_98 : memref<128xi32, #tpu.memory_space<hbm>>) target(%dma_start3A_97 : memref<128xi32, #tpu.memory_space<vmem>>) target_semaphore(%arg9 : memref<!tpu.dma_semaphore, #tpu.memory_space<semaphore_mem>>)
    %mul3A_99 = arith.constant 1664 : i32
    %mul3A_100 = arith.muli %add3A, %mul3A_99 : i32
    %add3A_101 = arith.constant 896 : i32
    %add3A_102 = arith.addi %mul3A_100, %add3A_101 : i32
    %dma_start3A_103 = arith.constant 7 : i32
    %dma_start3A_104 = arith.constant 0 : i32
    %dma_start3A_105 = tpu.memref_slice %arg7[%dma_start3A_103, %dma_start3A_104] : memref<13x128xi32, #tpu.memory_space<vmem>> -> memref<1x128xi32, #tpu.memory_space<vmem>>
    %dma_start3A_106 = tpu.memref_squeeze %dma_start3A_105 : memref<1x128xi32, #tpu.memory_space<vmem>> -> memref<128xi32, #tpu.memory_space<vmem>>
    %dma_start3A_107 = tpu.memref_slice %arg3[%add3A_102] : memref<53248xi32, #tpu.memory_space<hbm>> -> memref<128xi32, #tpu.memory_space<hbm>>
    %dma_start3A_108 = arith.constant 0 : i32
    %dma_start3A_109 = tpu.memref_slice %arg7[%dma_start3A_103, %dma_start3A_108] : memref<13x128xi32, #tpu.memory_space<vmem>> -> memref<1x128xi32, #tpu.memory_space<vmem>>
    %dma_start3A_110 = tpu.memref_squeeze %dma_start3A_109 : memref<1x128xi32, #tpu.memory_space<vmem>> -> memref<128xi32, #tpu.memory_space<vmem>>
    %dma_start3A_111 = tpu.memref_slice %arg3[%add3A_102] : memref<53248xi32, #tpu.memory_space<hbm>> -> memref<128xi32, #tpu.memory_space<hbm>>
    tpu.enqueue_dma source(%dma_start3A_111 : memref<128xi32, #tpu.memory_space<hbm>>) target(%dma_start3A_110 : memref<128xi32, #tpu.memory_space<vmem>>) target_semaphore(%arg9 : memref<!tpu.dma_semaphore, #tpu.memory_space<semaphore_mem>>)
    %mul3A_112 = arith.constant 1664 : i32
    %mul3A_113 = arith.muli %add3A, %mul3A_112 : i32
    %add3A_114 = arith.constant 1024 : i32
    %add3A_115 = arith.addi %mul3A_113, %add3A_114 : i32
    %dma_start3A_116 = arith.constant 8 : i32
    %dma_start3A_117 = arith.constant 0 : i32
    %dma_start3A_118 = tpu.memref_slice %arg7[%dma_start3A_116, %dma_start3A_117] : memref<13x128xi32, #tpu.memory_space<vmem>> -> memref<1x128xi32, #tpu.memory_space<vmem>>
    %dma_start3A_119 = tpu.memref_squeeze %dma_start3A_118 : memref<1x128xi32, #tpu.memory_space<vmem>> -> memref<128xi32, #tpu.memory_space<vmem>>
    %dma_start3A_120 = tpu.memref_slice %arg3[%add3A_115] : memref<53248xi32, #tpu.memory_space<hbm>> -> memref<128xi32, #tpu.memory_space<hbm>>
    %dma_start3A_121 = arith.constant 0 : i32
    %dma_start3A_122 = tpu.memref_slice %arg7[%dma_start3A_116, %dma_start3A_121] : memref<13x128xi32, #tpu.memory_space<vmem>> -> memref<1x128xi32, #tpu.memory_space<vmem>>
    %dma_start3A_123 = tpu.memref_squeeze %dma_start3A_122 : memref<1x128xi32, #tpu.memory_space<vmem>> -> memref<128xi32, #tpu.memory_space<vmem>>
    %dma_start3A_124 = tpu.memref_slice %arg3[%add3A_115] : memref<53248xi32, #tpu.memory_space<hbm>> -> memref<128xi32, #tpu.memory_space<hbm>>
    tpu.enqueue_dma source(%dma_start3A_124 : memref<128xi32, #tpu.memory_space<hbm>>) target(%dma_start3A_123 : memref<128xi32, #tpu.memory_space<vmem>>) target_semaphore(%arg9 : memref<!tpu.dma_semaphore, #tpu.memory_space<semaphore_mem>>)
    %mul3A_125 = arith.constant 1664 : i32
    %mul3A_126 = arith.muli %add3A, %mul3A_125 : i32
    %add3A_127 = arith.constant 1152 : i32
    %add3A_128 = arith.addi %mul3A_126, %add3A_127 : i32
    %dma_start3A_129 = arith.constant 9 : i32
    %dma_start3A_130 = arith.constant 0 : i32
    %dma_start3A_131 = tpu.memref_slice %arg7[%dma_start3A_129, %dma_start3A_130] : memref<13x128xi32, #tpu.memory_space<vmem>> -> memref<1x128xi32, #tpu.memory_space<vmem>>
    %dma_start3A_132 = tpu.memref_squeeze %dma_start3A_131 : memref<1x128xi32, #tpu.memory_space<vmem>> -> memref<128xi32, #tpu.memory_space<vmem>>
    %dma_start3A_133 = tpu.memref_slice %arg3[%add3A_128] : memref<53248xi32, #tpu.memory_space<hbm>> -> memref<128xi32, #tpu.memory_space<hbm>>
    %dma_start3A_134 = arith.constant 0 : i32
    %dma_start3A_135 = tpu.memref_slice %arg7[%dma_start3A_129, %dma_start3A_134] : memref<13x128xi32, #tpu.memory_space<vmem>> -> memref<1x128xi32, #tpu.memory_space<vmem>>
    %dma_start3A_136 = tpu.memref_squeeze %dma_start3A_135 : memref<1x128xi32, #tpu.memory_space<vmem>> -> memref<128xi32, #tpu.memory_space<vmem>>
    %dma_start3A_137 = tpu.memref_slice %arg3[%add3A_128] : memref<53248xi32, #tpu.memory_space<hbm>> -> memref<128xi32, #tpu.memory_space<hbm>>
    tpu.enqueue_dma source(%dma_start3A_137 : memref<128xi32, #tpu.memory_space<hbm>>) target(%dma_start3A_136 : memref<128xi32, #tpu.memory_space<vmem>>) target_semaphore(%arg9 : memref<!tpu.dma_semaphore, #tpu.memory_space<semaphore_mem>>)
    %mul3A_138 = arith.constant 1664 : i32
    %mul3A_139 = arith.muli %add3A, %mul3A_138 : i32
    %add3A_140 = arith.constant 1280 : i32
    %add3A_141 = arith.addi %mul3A_139, %add3A_140 : i32
    %dma_start3A_142 = arith.constant 10 : i32
    %dma_start3A_143 = arith.constant 0 : i32
    %dma_start3A_144 = tpu.memref_slice %arg7[%dma_start3A_142, %dma_start3A_143] : memref<13x128xi32, #tpu.memory_space<vmem>> -> memref<1x128xi32, #tpu.memory_space<vmem>>
    %dma_start3A_145 = tpu.memref_squeeze %dma_start3A_144 : memref<1x128xi32, #tpu.memory_space<vmem>> -> memref<128xi32, #tpu.memory_space<vmem>>
    %dma_start3A_146 = tpu.memref_slice %arg3[%add3A_141] : memref<53248xi32, #tpu.memory_space<hbm>> -> memref<128xi32, #tpu.memory_space<hbm>>
    %dma_start3A_147 = arith.constant 0 : i32
    %dma_start3A_148 = tpu.memref_slice %arg7[%dma_start3A_142, %dma_start3A_147] : memref<13x128xi32, #tpu.memory_space<vmem>> -> memref<1x128xi32, #tpu.memory_space<vmem>>
    %dma_start3A_149 = tpu.memref_squeeze %dma_start3A_148 : memref<1x128xi32, #tpu.memory_space<vmem>> -> memref<128xi32, #tpu.memory_space<vmem>>
    %dma_start3A_150 = tpu.memref_slice %arg3[%add3A_141] : memref<53248xi32, #tpu.memory_space<hbm>> -> memref<128xi32, #tpu.memory_space<hbm>>
    tpu.enqueue_dma source(%dma_start3A_150 : memref<128xi32, #tpu.memory_space<hbm>>) target(%dma_start3A_149 : memref<128xi32, #tpu.memory_space<vmem>>) target_semaphore(%arg9 : memref<!tpu.dma_semaphore, #tpu.memory_space<semaphore_mem>>)
    %mul3A_151 = arith.constant 1664 : i32
    %mul3A_152 = arith.muli %add3A, %mul3A_151 : i32
    %add3A_153 = arith.constant 1408 : i32
    %add3A_154 = arith.addi %mul3A_152, %add3A_153 : i32
    %dma_start3A_155 = arith.constant 11 : i32
    %dma_start3A_156 = arith.constant 0 : i32
    %dma_start3A_157 = tpu.memref_slice %arg7[%dma_start3A_155, %dma_start3A_156] : memref<13x128xi32, #tpu.memory_space<vmem>> -> memref<1x128xi32, #tpu.memory_space<vmem>>
    %dma_start3A_158 = tpu.memref_squeeze %dma_start3A_157 : memref<1x128xi32, #tpu.memory_space<vmem>> -> memref<128xi32, #tpu.memory_space<vmem>>
    %dma_start3A_159 = tpu.memref_slice %arg3[%add3A_154] : memref<53248xi32, #tpu.memory_space<hbm>> -> memref<128xi32, #tpu.memory_space<hbm>>
    %dma_start3A_160 = arith.constant 0 : i32
    %dma_start3A_161 = tpu.memref_slice %arg7[%dma_start3A_155, %dma_start3A_160] : memref<13x128xi32, #tpu.memory_space<vmem>> -> memref<1x128xi32, #tpu.memory_space<vmem>>
    %dma_start3A_162 = tpu.memref_squeeze %dma_start3A_161 : memref<1x128xi32, #tpu.memory_space<vmem>> -> memref<128xi32, #tpu.memory_space<vmem>>
    %dma_start3A_163 = tpu.memref_slice %arg3[%add3A_154] : memref<53248xi32, #tpu.memory_space<hbm>> -> memref<128xi32, #tpu.memory_space<hbm>>
    tpu.enqueue_dma source(%dma_start3A_163 : memref<128xi32, #tpu.memory_space<hbm>>) target(%dma_start3A_162 : memref<128xi32, #tpu.memory_space<vmem>>) target_semaphore(%arg9 : memref<!tpu.dma_semaphore, #tpu.memory_space<semaphore_mem>>)
    %mul3A_164 = arith.constant 1664 : i32
    %mul3A_165 = arith.muli %add3A, %mul3A_164 : i32
    %add3A_166 = arith.constant 1536 : i32
    %add3A_167 = arith.addi %mul3A_165, %add3A_166 : i32
    %dma_start3A_168 = arith.constant 12 : i32
    %dma_start3A_169 = arith.constant 0 : i32
    %dma_start3A_170 = tpu.memref_slice %arg7[%dma_start3A_168, %dma_start3A_169] : memref<13x128xi32, #tpu.memory_space<vmem>> -> memref<1x128xi32, #tpu.memory_space<vmem>>
    %dma_start3A_171 = tpu.memref_squeeze %dma_start3A_170 : memref<1x128xi32, #tpu.memory_space<vmem>> -> memref<128xi32, #tpu.memory_space<vmem>>
    %dma_start3A_172 = tpu.memref_slice %arg3[%add3A_167] : memref<53248xi32, #tpu.memory_space<hbm>> -> memref<128xi32, #tpu.memory_space<hbm>>
    %dma_start3A_173 = arith.constant 0 : i32
    %dma_start3A_174 = tpu.memref_slice %arg7[%dma_start3A_168, %dma_start3A_173] : memref<13x128xi32, #tpu.memory_space<vmem>> -> memref<1x128xi32, #tpu.memory_space<vmem>>
    %dma_start3A_175 = tpu.memref_squeeze %dma_start3A_174 : memref<1x128xi32, #tpu.memory_space<vmem>> -> memref<128xi32, #tpu.memory_space<vmem>>
    %dma_start3A_176 = tpu.memref_slice %arg3[%add3A_167] : memref<53248xi32, #tpu.memory_space<hbm>> -> memref<128xi32, #tpu.memory_space<hbm>>
    tpu.enqueue_dma source(%dma_start3A_176 : memref<128xi32, #tpu.memory_space<hbm>>) target(%dma_start3A_175 : memref<128xi32, #tpu.memory_space<vmem>>) target_semaphore(%arg9 : memref<!tpu.dma_semaphore, #tpu.memory_space<semaphore_mem>>)
    %dma_wait3A = arith.constant 0 : i32
    %dma_wait3A_177 = tpu.memref_slice %arg2[%mul3A_4, %dma_wait3A] : memref<53248x128xf32, #tpu.memory_space<hbm>> -> memref<1664x16xf32, #tpu.memory_space<hbm>>
    %dma_wait3A_178 = arith.constant 0 : i32
    %dma_wait3A_179 = tpu.memref_slice %arg2[%mul3A_4, %dma_wait3A_178] : memref<53248x128xf32, #tpu.memory_space<hbm>> -> memref<1664x16xf32, #tpu.memory_space<hbm>>
    tpu.wait_dma2 semaphore(%arg9 : memref<!tpu.dma_semaphore, #tpu.memory_space<semaphore_mem>>) src(%dma_wait3A_179 : memref<1664x16xf32, #tpu.memory_space<hbm>>) dst(%arg6 : memref<1664x16xf32, #tpu.memory_space<vmem>>)
    %dma_wait3A_180 = arith.constant 0 : i32
    %dma_wait3A_181 = arith.constant 0 : i32
    %dma_wait3A_182 = tpu.memref_slice %arg7[%dma_wait3A_180, %dma_wait3A_181] : memref<13x128xi32, #tpu.memory_space<vmem>> -> memref<1x128xi32, #tpu.memory_space<vmem>>
    %dma_wait3A_183 = tpu.memref_squeeze %dma_wait3A_182 : memref<1x128xi32, #tpu.memory_space<vmem>> -> memref<128xi32, #tpu.memory_space<vmem>>
    %dma_wait3A_184 = tpu.memref_slice %arg3[%add3A_11] : memref<53248xi32, #tpu.memory_space<hbm>> -> memref<128xi32, #tpu.memory_space<hbm>>
    %dma_wait3A_185 = arith.constant 0 : i32
    %dma_wait3A_186 = tpu.memref_slice %arg7[%dma_wait3A_180, %dma_wait3A_185] : memref<13x128xi32, #tpu.memory_space<vmem>> -> memref<1x128xi32, #tpu.memory_space<vmem>>
    %dma_wait3A_187 = tpu.memref_squeeze %dma_wait3A_186 : memref<1x128xi32, #tpu.memory_space<vmem>> -> memref<128xi32, #tpu.memory_space<vmem>>
    %dma_wait3A_188 = tpu.memref_slice %arg3[%add3A_11] : memref<53248xi32, #tpu.memory_space<hbm>> -> memref<128xi32, #tpu.memory_space<hbm>>
    tpu.wait_dma2 semaphore(%arg9 : memref<!tpu.dma_semaphore, #tpu.memory_space<semaphore_mem>>) src(%dma_wait3A_188 : memref<128xi32, #tpu.memory_space<hbm>>) dst(%dma_wait3A_187 : memref<128xi32, #tpu.memory_space<vmem>>)
    %dma_wait3A_189 = arith.constant 1 : i32
    %dma_wait3A_190 = arith.constant 0 : i32
    %dma_wait3A_191 = tpu.memref_slice %arg7[%dma_wait3A_189, %dma_wait3A_190] : memref<13x128xi32, #tpu.memory_space<vmem>> -> memref<1x128xi32, #tpu.memory_space<vmem>>
    %dma_wait3A_192 = tpu.memref_squeeze %dma_wait3A_191 : memref<1x128xi32, #tpu.memory_space<vmem>> -> memref<128xi32, #tpu.memory_space<vmem>>
    %dma_wait3A_193 = tpu.memref_slice %arg3[%add3A_24] : memref<53248xi32, #tpu.memory_space<hbm>> -> memref<128xi32, #tpu.memory_space<hbm>>
    %dma_wait3A_194 = arith.constant 0 : i32
    %dma_wait3A_195 = tpu.memref_slice %arg7[%dma_wait3A_189, %dma_wait3A_194] : memref<13x128xi32, #tpu.memory_space<vmem>> -> memref<1x128xi32, #tpu.memory_space<vmem>>
    %dma_wait3A_196 = tpu.memref_squeeze %dma_wait3A_195 : memref<1x128xi32, #tpu.memory_space<vmem>> -> memref<128xi32, #tpu.memory_space<vmem>>
    %dma_wait3A_197 = tpu.memref_slice %arg3[%add3A_24] : memref<53248xi32, #tpu.memory_space<hbm>> -> memref<128xi32, #tpu.memory_space<hbm>>
    tpu.wait_dma2 semaphore(%arg9 : memref<!tpu.dma_semaphore, #tpu.memory_space<semaphore_mem>>) src(%dma_wait3A_197 : memref<128xi32, #tpu.memory_space<hbm>>) dst(%dma_wait3A_196 : memref<128xi32, #tpu.memory_space<vmem>>)
    %dma_wait3A_198 = arith.constant 2 : i32
    %dma_wait3A_199 = arith.constant 0 : i32
    %dma_wait3A_200 = tpu.memref_slice %arg7[%dma_wait3A_198, %dma_wait3A_199] : memref<13x128xi32, #tpu.memory_space<vmem>> -> memref<1x128xi32, #tpu.memory_space<vmem>>
    %dma_wait3A_201 = tpu.memref_squeeze %dma_wait3A_200 : memref<1x128xi32, #tpu.memory_space<vmem>> -> memref<128xi32, #tpu.memory_space<vmem>>
    %dma_wait3A_202 = tpu.memref_slice %arg3[%add3A_37] : memref<53248xi32, #tpu.memory_space<hbm>> -> memref<128xi32, #tpu.memory_space<hbm>>
    %dma_wait3A_203 = arith.constant 0 : i32
    %dma_wait3A_204 = tpu.memref_slice %arg7[%dma_wait3A_198, %dma_wait3A_203] : memref<13x128xi32, #tpu.memory_space<vmem>> -> memref<1x128xi32, #tpu.memory_space<vmem>>
    %dma_wait3A_205 = tpu.memref_squeeze %dma_wait3A_204 : memref<1x128xi32, #tpu.memory_space<vmem>> -> memref<128xi32, #tpu.memory_space<vmem>>
    %dma_wait3A_206 = tpu.memref_slice %arg3[%add3A_37] : memref<53248xi32, #tpu.memory_space<hbm>> -> memref<128xi32, #tpu.memory_space<hbm>>
    tpu.wait_dma2 semaphore(%arg9 : memref<!tpu.dma_semaphore, #tpu.memory_space<semaphore_mem>>) src(%dma_wait3A_206 : memref<128xi32, #tpu.memory_space<hbm>>) dst(%dma_wait3A_205 : memref<128xi32, #tpu.memory_space<vmem>>)
    %dma_wait3A_207 = arith.constant 3 : i32
    %dma_wait3A_208 = arith.constant 0 : i32
    %dma_wait3A_209 = tpu.memref_slice %arg7[%dma_wait3A_207, %dma_wait3A_208] : memref<13x128xi32, #tpu.memory_space<vmem>> -> memref<1x128xi32, #tpu.memory_space<vmem>>
    %dma_wait3A_210 = tpu.memref_squeeze %dma_wait3A_209 : memref<1x128xi32, #tpu.memory_space<vmem>> -> memref<128xi32, #tpu.memory_space<vmem>>
    %dma_wait3A_211 = tpu.memref_slice %arg3[%add3A_50] : memref<53248xi32, #tpu.memory_space<hbm>> -> memref<128xi32, #tpu.memory_space<hbm>>
    %dma_wait3A_212 = arith.constant 0 : i32
    %dma_wait3A_213 = tpu.memref_slice %arg7[%dma_wait3A_207, %dma_wait3A_212] : memref<13x128xi32, #tpu.memory_space<vmem>> -> memref<1x128xi32, #tpu.memory_space<vmem>>
    %dma_wait3A_214 = tpu.memref_squeeze %dma_wait3A_213 : memref<1x128xi32, #tpu.memory_space<vmem>> -> memref<128xi32, #tpu.memory_space<vmem>>
    %dma_wait3A_215 = tpu.memref_slice %arg3[%add3A_50] : memref<53248xi32, #tpu.memory_space<hbm>> -> memref<128xi32, #tpu.memory_space<hbm>>
    tpu.wait_dma2 semaphore(%arg9 : memref<!tpu.dma_semaphore, #tpu.memory_space<semaphore_mem>>) src(%dma_wait3A_215 : memref<128xi32, #tpu.memory_space<hbm>>) dst(%dma_wait3A_214 : memref<128xi32, #tpu.memory_space<vmem>>)
    %dma_wait3A_216 = arith.constant 4 : i32
    %dma_wait3A_217 = arith.constant 0 : i32
    %dma_wait3A_218 = tpu.memref_slice %arg7[%dma_wait3A_216, %dma_wait3A_217] : memref<13x128xi32, #tpu.memory_space<vmem>> -> memref<1x128xi32, #tpu.memory_space<vmem>>
    %dma_wait3A_219 = tpu.memref_squeeze %dma_wait3A_218 : memref<1x128xi32, #tpu.memory_space<vmem>> -> memref<128xi32, #tpu.memory_space<vmem>>
    %dma_wait3A_220 = tpu.memref_slice %arg3[%add3A_63] : memref<53248xi32, #tpu.memory_space<hbm>> -> memref<128xi32, #tpu.memory_space<hbm>>
    %dma_wait3A_221 = arith.constant 0 : i32
    %dma_wait3A_222 = tpu.memref_slice %arg7[%dma_wait3A_216, %dma_wait3A_221] : memref<13x128xi32, #tpu.memory_space<vmem>> -> memref<1x128xi32, #tpu.memory_space<vmem>>
    %dma_wait3A_223 = tpu.memref_squeeze %dma_wait3A_222 : memref<1x128xi32, #tpu.memory_space<vmem>> -> memref<128xi32, #tpu.memory_space<vmem>>
    %dma_wait3A_224 = tpu.memref_slice %arg3[%add3A_63] : memref<53248xi32, #tpu.memory_space<hbm>> -> memref<128xi32, #tpu.memory_space<hbm>>
    tpu.wait_dma2 semaphore(%arg9 : memref<!tpu.dma_semaphore, #tpu.memory_space<semaphore_mem>>) src(%dma_wait3A_224 : memref<128xi32, #tpu.memory_space<hbm>>) dst(%dma_wait3A_223 : memref<128xi32, #tpu.memory_space<vmem>>)
    %dma_wait3A_225 = arith.constant 5 : i32
    %dma_wait3A_226 = arith.constant 0 : i32
    %dma_wait3A_227 = tpu.memref_slice %arg7[%dma_wait3A_225, %dma_wait3A_226] : memref<13x128xi32, #tpu.memory_space<vmem>> -> memref<1x128xi32, #tpu.memory_space<vmem>>
    %dma_wait3A_228 = tpu.memref_squeeze %dma_wait3A_227 : memref<1x128xi32, #tpu.memory_space<vmem>> -> memref<128xi32, #tpu.memory_space<vmem>>
    %dma_wait3A_229 = tpu.memref_slice %arg3[%add3A_76] : memref<53248xi32, #tpu.memory_space<hbm>> -> memref<128xi32, #tpu.memory_space<hbm>>
    %dma_wait3A_230 = arith.constant 0 : i32
    %dma_wait3A_231 = tpu.memref_slice %arg7[%dma_wait3A_225, %dma_wait3A_230] : memref<13x128xi32, #tpu.memory_space<vmem>> -> memref<1x128xi32, #tpu.memory_space<vmem>>
    %dma_wait3A_232 = tpu.memref_squeeze %dma_wait3A_231 : memref<1x128xi32, #tpu.memory_space<vmem>> -> memref<128xi32, #tpu.memory_space<vmem>>
    %dma_wait3A_233 = tpu.memref_slice %arg3[%add3A_76] : memref<53248xi32, #tpu.memory_space<hbm>> -> memref<128xi32, #tpu.memory_space<hbm>>
    tpu.wait_dma2 semaphore(%arg9 : memref<!tpu.dma_semaphore, #tpu.memory_space<semaphore_mem>>) src(%dma_wait3A_233 : memref<128xi32, #tpu.memory_space<hbm>>) dst(%dma_wait3A_232 : memref<128xi32, #tpu.memory_space<vmem>>)
    %dma_wait3A_234 = arith.constant 6 : i32
    %dma_wait3A_235 = arith.constant 0 : i32
    %dma_wait3A_236 = tpu.memref_slice %arg7[%dma_wait3A_234, %dma_wait3A_235] : memref<13x128xi32, #tpu.memory_space<vmem>> -> memref<1x128xi32, #tpu.memory_space<vmem>>
    %dma_wait3A_237 = tpu.memref_squeeze %dma_wait3A_236 : memref<1x128xi32, #tpu.memory_space<vmem>> -> memref<128xi32, #tpu.memory_space<vmem>>
    %dma_wait3A_238 = tpu.memref_slice %arg3[%add3A_89] : memref<53248xi32, #tpu.memory_space<hbm>> -> memref<128xi32, #tpu.memory_space<hbm>>
    %dma_wait3A_239 = arith.constant 0 : i32
    %dma_wait3A_240 = tpu.memref_slice %arg7[%dma_wait3A_234, %dma_wait3A_239] : memref<13x128xi32, #tpu.memory_space<vmem>> -> memref<1x128xi32, #tpu.memory_space<vmem>>
    %dma_wait3A_241 = tpu.memref_squeeze %dma_wait3A_240 : memref<1x128xi32, #tpu.memory_space<vmem>> -> memref<128xi32, #tpu.memory_space<vmem>>
    %dma_wait3A_242 = tpu.memref_slice %arg3[%add3A_89] : memref<53248xi32, #tpu.memory_space<hbm>> -> memref<128xi32, #tpu.memory_space<hbm>>
    tpu.wait_dma2 semaphore(%arg9 : memref<!tpu.dma_semaphore, #tpu.memory_space<semaphore_mem>>) src(%dma_wait3A_242 : memref<128xi32, #tpu.memory_space<hbm>>) dst(%dma_wait3A_241 : memref<128xi32, #tpu.memory_space<vmem>>)
    %dma_wait3A_243 = arith.constant 7 : i32
    %dma_wait3A_244 = arith.constant 0 : i32
    %dma_wait3A_245 = tpu.memref_slice %arg7[%dma_wait3A_243, %dma_wait3A_244] : memref<13x128xi32, #tpu.memory_space<vmem>> -> memref<1x128xi32, #tpu.memory_space<vmem>>
    %dma_wait3A_246 = tpu.memref_squeeze %dma_wait3A_245 : memref<1x128xi32, #tpu.memory_space<vmem>> -> memref<128xi32, #tpu.memory_space<vmem>>
    %dma_wait3A_247 = tpu.memref_slice %arg3[%add3A_102] : memref<53248xi32, #tpu.memory_space<hbm>> -> memref<128xi32, #tpu.memory_space<hbm>>
    %dma_wait3A_248 = arith.constant 0 : i32
    %dma_wait3A_249 = tpu.memref_slice %arg7[%dma_wait3A_243, %dma_wait3A_248] : memref<13x128xi32, #tpu.memory_space<vmem>> -> memref<1x128xi32, #tpu.memory_space<vmem>>
    %dma_wait3A_250 = tpu.memref_squeeze %dma_wait3A_249 : memref<1x128xi32, #tpu.memory_space<vmem>> -> memref<128xi32, #tpu.memory_space<vmem>>
    %dma_wait3A_251 = tpu.memref_slice %arg3[%add3A_102] : memref<53248xi32, #tpu.memory_space<hbm>> -> memref<128xi32, #tpu.memory_space<hbm>>
    tpu.wait_dma2 semaphore(%arg9 : memref<!tpu.dma_semaphore, #tpu.memory_space<semaphore_mem>>) src(%dma_wait3A_251 : memref<128xi32, #tpu.memory_space<hbm>>) dst(%dma_wait3A_250 : memref<128xi32, #tpu.memory_space<vmem>>)
    %dma_wait3A_252 = arith.constant 8 : i32
    %dma_wait3A_253 = arith.constant 0 : i32
    %dma_wait3A_254 = tpu.memref_slice %arg7[%dma_wait3A_252, %dma_wait3A_253] : memref<13x128xi32, #tpu.memory_space<vmem>> -> memref<1x128xi32, #tpu.memory_space<vmem>>
    %dma_wait3A_255 = tpu.memref_squeeze %dma_wait3A_254 : memref<1x128xi32, #tpu.memory_space<vmem>> -> memref<128xi32, #tpu.memory_space<vmem>>
    %dma_wait3A_256 = tpu.memref_slice %arg3[%add3A_115] : memref<53248xi32, #tpu.memory_space<hbm>> -> memref<128xi32, #tpu.memory_space<hbm>>
    %dma_wait3A_257 = arith.constant 0 : i32
    %dma_wait3A_258 = tpu.memref_slice %arg7[%dma_wait3A_252, %dma_wait3A_257] : memref<13x128xi32, #tpu.memory_space<vmem>> -> memref<1x128xi32, #tpu.memory_space<vmem>>
    %dma_wait3A_259 = tpu.memref_squeeze %dma_wait3A_258 : memref<1x128xi32, #tpu.memory_space<vmem>> -> memref<128xi32, #tpu.memory_space<vmem>>
    %dma_wait3A_260 = tpu.memref_slice %arg3[%add3A_115] : memref<53248xi32, #tpu.memory_space<hbm>> -> memref<128xi32, #tpu.memory_space<hbm>>
    tpu.wait_dma2 semaphore(%arg9 : memref<!tpu.dma_semaphore, #tpu.memory_space<semaphore_mem>>) src(%dma_wait3A_260 : memref<128xi32, #tpu.memory_space<hbm>>) dst(%dma_wait3A_259 : memref<128xi32, #tpu.memory_space<vmem>>)
    %dma_wait3A_261 = arith.constant 9 : i32
    %dma_wait3A_262 = arith.constant 0 : i32
    %dma_wait3A_263 = tpu.memref_slice %arg7[%dma_wait3A_261, %dma_wait3A_262] : memref<13x128xi32, #tpu.memory_space<vmem>> -> memref<1x128xi32, #tpu.memory_space<vmem>>
    %dma_wait3A_264 = tpu.memref_squeeze %dma_wait3A_263 : memref<1x128xi32, #tpu.memory_space<vmem>> -> memref<128xi32, #tpu.memory_space<vmem>>
    %dma_wait3A_265 = tpu.memref_slice %arg3[%add3A_128] : memref<53248xi32, #tpu.memory_space<hbm>> -> memref<128xi32, #tpu.memory_space<hbm>>
    %dma_wait3A_266 = arith.constant 0 : i32
    %dma_wait3A_267 = tpu.memref_slice %arg7[%dma_wait3A_261, %dma_wait3A_266] : memref<13x128xi32, #tpu.memory_space<vmem>> -> memref<1x128xi32, #tpu.memory_space<vmem>>
    %dma_wait3A_268 = tpu.memref_squeeze %dma_wait3A_267 : memref<1x128xi32, #tpu.memory_space<vmem>> -> memref<128xi32, #tpu.memory_space<vmem>>
    %dma_wait3A_269 = tpu.memref_slice %arg3[%add3A_128] : memref<53248xi32, #tpu.memory_space<hbm>> -> memref<128xi32, #tpu.memory_space<hbm>>
    tpu.wait_dma2 semaphore(%arg9 : memref<!tpu.dma_semaphore, #tpu.memory_space<semaphore_mem>>) src(%dma_wait3A_269 : memref<128xi32, #tpu.memory_space<hbm>>) dst(%dma_wait3A_268 : memref<128xi32, #tpu.memory_space<vmem>>)
    %dma_wait3A_270 = arith.constant 10 : i32
    %dma_wait3A_271 = arith.constant 0 : i32
    %dma_wait3A_272 = tpu.memref_slice %arg7[%dma_wait3A_270, %dma_wait3A_271] : memref<13x128xi32, #tpu.memory_space<vmem>> -> memref<1x128xi32, #tpu.memory_space<vmem>>
    %dma_wait3A_273 = tpu.memref_squeeze %dma_wait3A_272 : memref<1x128xi32, #tpu.memory_space<vmem>> -> memref<128xi32, #tpu.memory_space<vmem>>
    %dma_wait3A_274 = tpu.memref_slice %arg3[%add3A_141] : memref<53248xi32, #tpu.memory_space<hbm>> -> memref<128xi32, #tpu.memory_space<hbm>>
    %dma_wait3A_275 = arith.constant 0 : i32
    %dma_wait3A_276 = tpu.memref_slice %arg7[%dma_wait3A_270, %dma_wait3A_275] : memref<13x128xi32, #tpu.memory_space<vmem>> -> memref<1x128xi32, #tpu.memory_space<vmem>>
    %dma_wait3A_277 = tpu.memref_squeeze %dma_wait3A_276 : memref<1x128xi32, #tpu.memory_space<vmem>> -> memref<128xi32, #tpu.memory_space<vmem>>
    %dma_wait3A_278 = tpu.memref_slice %arg3[%add3A_141] : memref<53248xi32, #tpu.memory_space<hbm>> -> memref<128xi32, #tpu.memory_space<hbm>>
    tpu.wait_dma2 semaphore(%arg9 : memref<!tpu.dma_semaphore, #tpu.memory_space<semaphore_mem>>) src(%dma_wait3A_278 : memref<128xi32, #tpu.memory_space<hbm>>) dst(%dma_wait3A_277 : memref<128xi32, #tpu.memory_space<vmem>>)
    %dma_wait3A_279 = arith.constant 11 : i32
    %dma_wait3A_280 = arith.constant 0 : i32
    %dma_wait3A_281 = tpu.memref_slice %arg7[%dma_wait3A_279, %dma_wait3A_280] : memref<13x128xi32, #tpu.memory_space<vmem>> -> memref<1x128xi32, #tpu.memory_space<vmem>>
    %dma_wait3A_282 = tpu.memref_squeeze %dma_wait3A_281 : memref<1x128xi32, #tpu.memory_space<vmem>> -> memref<128xi32, #tpu.memory_space<vmem>>
    %dma_wait3A_283 = tpu.memref_slice %arg3[%add3A_154] : memref<53248xi32, #tpu.memory_space<hbm>> -> memref<128xi32, #tpu.memory_space<hbm>>
    %dma_wait3A_284 = arith.constant 0 : i32
    %dma_wait3A_285 = tpu.memref_slice %arg7[%dma_wait3A_279, %dma_wait3A_284] : memref<13x128xi32, #tpu.memory_space<vmem>> -> memref<1x128xi32, #tpu.memory_space<vmem>>
    %dma_wait3A_286 = tpu.memref_squeeze %dma_wait3A_285 : memref<1x128xi32, #tpu.memory_space<vmem>> -> memref<128xi32, #tpu.memory_space<vmem>>
    %dma_wait3A_287 = tpu.memref_slice %arg3[%add3A_154] : memref<53248xi32, #tpu.memory_space<hbm>> -> memref<128xi32, #tpu.memory_space<hbm>>
    tpu.wait_dma2 semaphore(%arg9 : memref<!tpu.dma_semaphore, #tpu.memory_space<semaphore_mem>>) src(%dma_wait3A_287 : memref<128xi32, #tpu.memory_space<hbm>>) dst(%dma_wait3A_286 : memref<128xi32, #tpu.memory_space<vmem>>)
    %dma_wait3A_288 = arith.constant 12 : i32
    %dma_wait3A_289 = arith.constant 0 : i32
    %dma_wait3A_290 = tpu.memref_slice %arg7[%dma_wait3A_288, %dma_wait3A_289] : memref<13x128xi32, #tpu.memory_space<vmem>> -> memref<1x128xi32, #tpu.memory_space<vmem>>
    %dma_wait3A_291 = tpu.memref_squeeze %dma_wait3A_290 : memref<1x128xi32, #tpu.memory_space<vmem>> -> memref<128xi32, #tpu.memory_space<vmem>>
    %dma_wait3A_292 = tpu.memref_slice %arg3[%add3A_167] : memref<53248xi32, #tpu.memory_space<hbm>> -> memref<128xi32, #tpu.memory_space<hbm>>
    %dma_wait3A_293 = arith.constant 0 : i32
    %dma_wait3A_294 = tpu.memref_slice %arg7[%dma_wait3A_288, %dma_wait3A_293] : memref<13x128xi32, #tpu.memory_space<vmem>> -> memref<1x128xi32, #tpu.memory_space<vmem>>
    %dma_wait3A_295 = tpu.memref_squeeze %dma_wait3A_294 : memref<1x128xi32, #tpu.memory_space<vmem>> -> memref<128xi32, #tpu.memory_space<vmem>>
    %dma_wait3A_296 = tpu.memref_slice %arg3[%add3A_167] : memref<53248xi32, #tpu.memory_space<hbm>> -> memref<128xi32, #tpu.memory_space<hbm>>
    tpu.wait_dma2 semaphore(%arg9 : memref<!tpu.dma_semaphore, #tpu.memory_space<semaphore_mem>>) src(%dma_wait3A_296 : memref<128xi32, #tpu.memory_space<hbm>>) dst(%dma_wait3A_295 : memref<128xi32, #tpu.memory_space<vmem>>)
    %dma_start3A_297 = arith.constant 0 : i32
    %dma_start3A_298 = arith.constant 0 : i32
    %dma_start3A_299 = arith.constant 0 : i32
    %dma_start3A_300 = tpu.memref_slice %arg6[%dma_start3A_298, %dma_start3A_299] : memref<1664x16xf32, #tpu.memory_space<vmem>> -> memref<128x16xf32, #tpu.memory_space<vmem>>
    %dma_start3A_301 = arith.constant 0 : i32
    %dma_start3A_302 = tpu.memref_slice %arg7[%dma_start3A_297, %dma_start3A_301] : memref<13x128xi32, #tpu.memory_space<vmem>> -> memref<1x128xi32, #tpu.memory_space<vmem>>
    %dma_start3A_303 = tpu.memref_squeeze %dma_start3A_302 : memref<1x128xi32, #tpu.memory_space<vmem>> -> memref<128xi32, #tpu.memory_space<vmem>>
    %dma_start3A_304 = arith.constant 0 : i32
    %dma_start3A_305 = arith.constant 0 : i32
    %dma_start3A_306 = tpu.memref_slice %arg8[%dma_start3A_304, %dma_start3A_305] : memref<2000x16xf32, #tpu.memory_space<vmem_shared>> -> memref<2000x16xf32, #tpu.memory_space<vmem_shared>>
    tpu.enqueue_indirect_dma source(%dma_start3A_300 : memref<128x16xf32, #tpu.memory_space<vmem>>) target(%dma_start3A_306 : memref<2000x16xf32, #tpu.memory_space<vmem_shared>>) offsets(%dma_start3A_303 : memref<128xi32, #tpu.memory_space<vmem>>) semaphore(%arg9 : memref<!tpu.dma_semaphore, #tpu.memory_space<semaphore_mem>>) {add = true}
    %dma_start3A_307 = arith.constant 1 : i32
    %dma_start3A_308 = arith.constant 128 : i32
    %dma_start3A_309 = arith.constant 0 : i32
    %dma_start3A_310 = tpu.memref_slice %arg6[%dma_start3A_308, %dma_start3A_309] : memref<1664x16xf32, #tpu.memory_space<vmem>> -> memref<128x16xf32, #tpu.memory_space<vmem>>
    %dma_start3A_311 = arith.constant 0 : i32
    %dma_start3A_312 = tpu.memref_slice %arg7[%dma_start3A_307, %dma_start3A_311] : memref<13x128xi32, #tpu.memory_space<vmem>> -> memref<1x128xi32, #tpu.memory_space<vmem>>
    %dma_start3A_313 = tpu.memref_squeeze %dma_start3A_312 : memref<1x128xi32, #tpu.memory_space<vmem>> -> memref<128xi32, #tpu.memory_space<vmem>>
    %dma_start3A_314 = arith.constant 0 : i32
    %dma_start3A_315 = arith.constant 0 : i32
    %dma_start3A_316 = tpu.memref_slice %arg8[%dma_start3A_314, %dma_start3A_315] : memref<2000x16xf32, #tpu.memory_space<vmem_shared>> -> memref<2000x16xf32, #tpu.memory_space<vmem_shared>>
    tpu.enqueue_indirect_dma source(%dma_start3A_310 : memref<128x16xf32, #tpu.memory_space<vmem>>) target(%dma_start3A_316 : memref<2000x16xf32, #tpu.memory_space<vmem_shared>>) offsets(%dma_start3A_313 : memref<128xi32, #tpu.memory_space<vmem>>) semaphore(%arg9 : memref<!tpu.dma_semaphore, #tpu.memory_space<semaphore_mem>>) {add = true}
    %dma_start3A_317 = arith.constant 2 : i32
    %dma_start3A_318 = arith.constant 256 : i32
    %dma_start3A_319 = arith.constant 0 : i32
    %dma_start3A_320 = tpu.memref_slice %arg6[%dma_start3A_318, %dma_start3A_319] : memref<1664x16xf32, #tpu.memory_space<vmem>> -> memref<128x16xf32, #tpu.memory_space<vmem>>
    %dma_start3A_321 = arith.constant 0 : i32
    %dma_start3A_322 = tpu.memref_slice %arg7[%dma_start3A_317, %dma_start3A_321] : memref<13x128xi32, #tpu.memory_space<vmem>> -> memref<1x128xi32, #tpu.memory_space<vmem>>
    %dma_start3A_323 = tpu.memref_squeeze %dma_start3A_322 : memref<1x128xi32, #tpu.memory_space<vmem>> -> memref<128xi32, #tpu.memory_space<vmem>>
    %dma_start3A_324 = arith.constant 0 : i32
    %dma_start3A_325 = arith.constant 0 : i32
    %dma_start3A_326 = tpu.memref_slice %arg8[%dma_start3A_324, %dma_start3A_325] : memref<2000x16xf32, #tpu.memory_space<vmem_shared>> -> memref<2000x16xf32, #tpu.memory_space<vmem_shared>>
    tpu.enqueue_indirect_dma source(%dma_start3A_320 : memref<128x16xf32, #tpu.memory_space<vmem>>) target(%dma_start3A_326 : memref<2000x16xf32, #tpu.memory_space<vmem_shared>>) offsets(%dma_start3A_323 : memref<128xi32, #tpu.memory_space<vmem>>) semaphore(%arg9 : memref<!tpu.dma_semaphore, #tpu.memory_space<semaphore_mem>>) {add = true}
    %dma_start3A_327 = arith.constant 3 : i32
    %dma_start3A_328 = arith.constant 384 : i32
    %dma_start3A_329 = arith.constant 0 : i32
    %dma_start3A_330 = tpu.memref_slice %arg6[%dma_start3A_328, %dma_start3A_329] : memref<1664x16xf32, #tpu.memory_space<vmem>> -> memref<128x16xf32, #tpu.memory_space<vmem>>
    %dma_start3A_331 = arith.constant 0 : i32
    %dma_start3A_332 = tpu.memref_slice %arg7[%dma_start3A_327, %dma_start3A_331] : memref<13x128xi32, #tpu.memory_space<vmem>> -> memref<1x128xi32, #tpu.memory_space<vmem>>
    %dma_start3A_333 = tpu.memref_squeeze %dma_start3A_332 : memref<1x128xi32, #tpu.memory_space<vmem>> -> memref<128xi32, #tpu.memory_space<vmem>>
    %dma_start3A_334 = arith.constant 0 : i32
    %dma_start3A_335 = arith.constant 0 : i32
    %dma_start3A_336 = tpu.memref_slice %arg8[%dma_start3A_334, %dma_start3A_335] : memref<2000x16xf32, #tpu.memory_space<vmem_shared>> -> memref<2000x16xf32, #tpu.memory_space<vmem_shared>>
    tpu.enqueue_indirect_dma source(%dma_start3A_330 : memref<128x16xf32, #tpu.memory_space<vmem>>) target(%dma_start3A_336 : memref<2000x16xf32, #tpu.memory_space<vmem_shared>>) offsets(%dma_start3A_333 : memref<128xi32, #tpu.memory_space<vmem>>) semaphore(%arg9 : memref<!tpu.dma_semaphore, #tpu.memory_space<semaphore_mem>>) {add = true}
    %dma_start3A_337 = arith.constant 4 : i32
    %dma_start3A_338 = arith.constant 512 : i32
    %dma_start3A_339 = arith.constant 0 : i32
    %dma_start3A_340 = tpu.memref_slice %arg6[%dma_start3A_338, %dma_start3A_339] : memref<1664x16xf32, #tpu.memory_space<vmem>> -> memref<128x16xf32, #tpu.memory_space<vmem>>
    %dma_start3A_341 = arith.constant 0 : i32
    %dma_start3A_342 = tpu.memref_slice %arg7[%dma_start3A_337, %dma_start3A_341] : memref<13x128xi32, #tpu.memory_space<vmem>> -> memref<1x128xi32, #tpu.memory_space<vmem>>
    %dma_start3A_343 = tpu.memref_squeeze %dma_start3A_342 : memref<1x128xi32, #tpu.memory_space<vmem>> -> memref<128xi32, #tpu.memory_space<vmem>>
    %dma_start3A_344 = arith.constant 0 : i32
    %dma_start3A_345 = arith.constant 0 : i32
    %dma_start3A_346 = tpu.memref_slice %arg8[%dma_start3A_344, %dma_start3A_345] : memref<2000x16xf32, #tpu.memory_space<vmem_shared>> -> memref<2000x16xf32, #tpu.memory_space<vmem_shared>>
    tpu.enqueue_indirect_dma source(%dma_start3A_340 : memref<128x16xf32, #tpu.memory_space<vmem>>) target(%dma_start3A_346 : memref<2000x16xf32, #tpu.memory_space<vmem_shared>>) offsets(%dma_start3A_343 : memref<128xi32, #tpu.memory_space<vmem>>) semaphore(%arg9 : memref<!tpu.dma_semaphore, #tpu.memory_space<semaphore_mem>>) {add = true}
    %dma_start3A_347 = arith.constant 5 : i32
    %dma_start3A_348 = arith.constant 640 : i32
    %dma_start3A_349 = arith.constant 0 : i32
    %dma_start3A_350 = tpu.memref_slice %arg6[%dma_start3A_348, %dma_start3A_349] : memref<1664x16xf32, #tpu.memory_space<vmem>> -> memref<128x16xf32, #tpu.memory_space<vmem>>
    %dma_start3A_351 = arith.constant 0 : i32
    %dma_start3A_352 = tpu.memref_slice %arg7[%dma_start3A_347, %dma_start3A_351] : memref<13x128xi32, #tpu.memory_space<vmem>> -> memref<1x128xi32, #tpu.memory_space<vmem>>
    %dma_start3A_353 = tpu.memref_squeeze %dma_start3A_352 : memref<1x128xi32, #tpu.memory_space<vmem>> -> memref<128xi32, #tpu.memory_space<vmem>>
    %dma_start3A_354 = arith.constant 0 : i32
    %dma_start3A_355 = arith.constant 0 : i32
    %dma_start3A_356 = tpu.memref_slice %arg8[%dma_start3A_354, %dma_start3A_355] : memref<2000x16xf32, #tpu.memory_space<vmem_shared>> -> memref<2000x16xf32, #tpu.memory_space<vmem_shared>>
    tpu.enqueue_indirect_dma source(%dma_start3A_350 : memref<128x16xf32, #tpu.memory_space<vmem>>) target(%dma_start3A_356 : memref<2000x16xf32, #tpu.memory_space<vmem_shared>>) offsets(%dma_start3A_353 : memref<128xi32, #tpu.memory_space<vmem>>) semaphore(%arg9 : memref<!tpu.dma_semaphore, #tpu.memory_space<semaphore_mem>>) {add = true}
    %dma_start3A_357 = arith.constant 6 : i32
    %dma_start3A_358 = arith.constant 768 : i32
    %dma_start3A_359 = arith.constant 0 : i32
    %dma_start3A_360 = tpu.memref_slice %arg6[%dma_start3A_358, %dma_start3A_359] : memref<1664x16xf32, #tpu.memory_space<vmem>> -> memref<128x16xf32, #tpu.memory_space<vmem>>
    %dma_start3A_361 = arith.constant 0 : i32
    %dma_start3A_362 = tpu.memref_slice %arg7[%dma_start3A_357, %dma_start3A_361] : memref<13x128xi32, #tpu.memory_space<vmem>> -> memref<1x128xi32, #tpu.memory_space<vmem>>
    %dma_start3A_363 = tpu.memref_squeeze %dma_start3A_362 : memref<1x128xi32, #tpu.memory_space<vmem>> -> memref<128xi32, #tpu.memory_space<vmem>>
    %dma_start3A_364 = arith.constant 0 : i32
    %dma_start3A_365 = arith.constant 0 : i32
    %dma_start3A_366 = tpu.memref_slice %arg8[%dma_start3A_364, %dma_start3A_365] : memref<2000x16xf32, #tpu.memory_space<vmem_shared>> -> memref<2000x16xf32, #tpu.memory_space<vmem_shared>>
    tpu.enqueue_indirect_dma source(%dma_start3A_360 : memref<128x16xf32, #tpu.memory_space<vmem>>) target(%dma_start3A_366 : memref<2000x16xf32, #tpu.memory_space<vmem_shared>>) offsets(%dma_start3A_363 : memref<128xi32, #tpu.memory_space<vmem>>) semaphore(%arg9 : memref<!tpu.dma_semaphore, #tpu.memory_space<semaphore_mem>>) {add = true}
    %dma_start3A_367 = arith.constant 7 : i32
    %dma_start3A_368 = arith.constant 896 : i32
    %dma_start3A_369 = arith.constant 0 : i32
    %dma_start3A_370 = tpu.memref_slice %arg6[%dma_start3A_368, %dma_start3A_369] : memref<1664x16xf32, #tpu.memory_space<vmem>> -> memref<128x16xf32, #tpu.memory_space<vmem>>
    %dma_start3A_371 = arith.constant 0 : i32
    %dma_start3A_372 = tpu.memref_slice %arg7[%dma_start3A_367, %dma_start3A_371] : memref<13x128xi32, #tpu.memory_space<vmem>> -> memref<1x128xi32, #tpu.memory_space<vmem>>
    %dma_start3A_373 = tpu.memref_squeeze %dma_start3A_372 : memref<1x128xi32, #tpu.memory_space<vmem>> -> memref<128xi32, #tpu.memory_space<vmem>>
    %dma_start3A_374 = arith.constant 0 : i32
    %dma_start3A_375 = arith.constant 0 : i32
    %dma_start3A_376 = tpu.memref_slice %arg8[%dma_start3A_374, %dma_start3A_375] : memref<2000x16xf32, #tpu.memory_space<vmem_shared>> -> memref<2000x16xf32, #tpu.memory_space<vmem_shared>>
    tpu.enqueue_indirect_dma source(%dma_start3A_370 : memref<128x16xf32, #tpu.memory_space<vmem>>) target(%dma_start3A_376 : memref<2000x16xf32, #tpu.memory_space<vmem_shared>>) offsets(%dma_start3A_373 : memref<128xi32, #tpu.memory_space<vmem>>) semaphore(%arg9 : memref<!tpu.dma_semaphore, #tpu.memory_space<semaphore_mem>>) {add = true}
    %dma_start3A_377 = arith.constant 8 : i32
    %dma_start3A_378 = arith.constant 1024 : i32
    %dma_start3A_379 = arith.constant 0 : i32
    %dma_start3A_380 = tpu.memref_slice %arg6[%dma_start3A_378, %dma_start3A_379] : memref<1664x16xf32, #tpu.memory_space<vmem>> -> memref<128x16xf32, #tpu.memory_space<vmem>>
    %dma_start3A_381 = arith.constant 0 : i32
    %dma_start3A_382 = tpu.memref_slice %arg7[%dma_start3A_377, %dma_start3A_381] : memref<13x128xi32, #tpu.memory_space<vmem>> -> memref<1x128xi32, #tpu.memory_space<vmem>>
    %dma_start3A_383 = tpu.memref_squeeze %dma_start3A_382 : memref<1x128xi32, #tpu.memory_space<vmem>> -> memref<128xi32, #tpu.memory_space<vmem>>
    %dma_start3A_384 = arith.constant 0 : i32
    %dma_start3A_385 = arith.constant 0 : i32
    %dma_start3A_386 = tpu.memref_slice %arg8[%dma_start3A_384, %dma_start3A_385] : memref<2000x16xf32, #tpu.memory_space<vmem_shared>> -> memref<2000x16xf32, #tpu.memory_space<vmem_shared>>
    tpu.enqueue_indirect_dma source(%dma_start3A_380 : memref<128x16xf32, #tpu.memory_space<vmem>>) target(%dma_start3A_386 : memref<2000x16xf32, #tpu.memory_space<vmem_shared>>) offsets(%dma_start3A_383 : memref<128xi32, #tpu.memory_space<vmem>>) semaphore(%arg9 : memref<!tpu.dma_semaphore, #tpu.memory_space<semaphore_mem>>) {add = true}
    %dma_start3A_387 = arith.constant 9 : i32
    %dma_start3A_388 = arith.constant 1152 : i32
    %dma_start3A_389 = arith.constant 0 : i32
    %dma_start3A_390 = tpu.memref_slice %arg6[%dma_start3A_388, %dma_start3A_389] : memref<1664x16xf32, #tpu.memory_space<vmem>> -> memref<128x16xf32, #tpu.memory_space<vmem>>
    %dma_start3A_391 = arith.constant 0 : i32
    %dma_start3A_392 = tpu.memref_slice %arg7[%dma_start3A_387, %dma_start3A_391] : memref<13x128xi32, #tpu.memory_space<vmem>> -> memref<1x128xi32, #tpu.memory_space<vmem>>
    %dma_start3A_393 = tpu.memref_squeeze %dma_start3A_392 : memref<1x128xi32, #tpu.memory_space<vmem>> -> memref<128xi32, #tpu.memory_space<vmem>>
    %dma_start3A_394 = arith.constant 0 : i32
    %dma_start3A_395 = arith.constant 0 : i32
    %dma_start3A_396 = tpu.memref_slice %arg8[%dma_start3A_394, %dma_start3A_395] : memref<2000x16xf32, #tpu.memory_space<vmem_shared>> -> memref<2000x16xf32, #tpu.memory_space<vmem_shared>>
    tpu.enqueue_indirect_dma source(%dma_start3A_390 : memref<128x16xf32, #tpu.memory_space<vmem>>) target(%dma_start3A_396 : memref<2000x16xf32, #tpu.memory_space<vmem_shared>>) offsets(%dma_start3A_393 : memref<128xi32, #tpu.memory_space<vmem>>) semaphore(%arg9 : memref<!tpu.dma_semaphore, #tpu.memory_space<semaphore_mem>>) {add = true}
    %dma_start3A_397 = arith.constant 10 : i32
    %dma_start3A_398 = arith.constant 1280 : i32
    %dma_start3A_399 = arith.constant 0 : i32
    %dma_start3A_400 = tpu.memref_slice %arg6[%dma_start3A_398, %dma_start3A_399] : memref<1664x16xf32, #tpu.memory_space<vmem>> -> memref<128x16xf32, #tpu.memory_space<vmem>>
    %dma_start3A_401 = arith.constant 0 : i32
    %dma_start3A_402 = tpu.memref_slice %arg7[%dma_start3A_397, %dma_start3A_401] : memref<13x128xi32, #tpu.memory_space<vmem>> -> memref<1x128xi32, #tpu.memory_space<vmem>>
    %dma_start3A_403 = tpu.memref_squeeze %dma_start3A_402 : memref<1x128xi32, #tpu.memory_space<vmem>> -> memref<128xi32, #tpu.memory_space<vmem>>
    %dma_start3A_404 = arith.constant 0 : i32
    %dma_start3A_405 = arith.constant 0 : i32
    %dma_start3A_406 = tpu.memref_slice %arg8[%dma_start3A_404, %dma_start3A_405] : memref<2000x16xf32, #tpu.memory_space<vmem_shared>> -> memref<2000x16xf32, #tpu.memory_space<vmem_shared>>
    tpu.enqueue_indirect_dma source(%dma_start3A_400 : memref<128x16xf32, #tpu.memory_space<vmem>>) target(%dma_start3A_406 : memref<2000x16xf32, #tpu.memory_space<vmem_shared>>) offsets(%dma_start3A_403 : memref<128xi32, #tpu.memory_space<vmem>>) semaphore(%arg9 : memref<!tpu.dma_semaphore, #tpu.memory_space<semaphore_mem>>) {add = true}
    %dma_start3A_407 = arith.constant 11 : i32
    %dma_start3A_408 = arith.constant 1408 : i32
    %dma_start3A_409 = arith.constant 0 : i32
    %dma_start3A_410 = tpu.memref_slice %arg6[%dma_start3A_408, %dma_start3A_409] : memref<1664x16xf32, #tpu.memory_space<vmem>> -> memref<128x16xf32, #tpu.memory_space<vmem>>
    %dma_start3A_411 = arith.constant 0 : i32
    %dma_start3A_412 = tpu.memref_slice %arg7[%dma_start3A_407, %dma_start3A_411] : memref<13x128xi32, #tpu.memory_space<vmem>> -> memref<1x128xi32, #tpu.memory_space<vmem>>
    %dma_start3A_413 = tpu.memref_squeeze %dma_start3A_412 : memref<1x128xi32, #tpu.memory_space<vmem>> -> memref<128xi32, #tpu.memory_space<vmem>>
    %dma_start3A_414 = arith.constant 0 : i32
    %dma_start3A_415 = arith.constant 0 : i32
    %dma_start3A_416 = tpu.memref_slice %arg8[%dma_start3A_414, %dma_start3A_415] : memref<2000x16xf32, #tpu.memory_space<vmem_shared>> -> memref<2000x16xf32, #tpu.memory_space<vmem_shared>>
    tpu.enqueue_indirect_dma source(%dma_start3A_410 : memref<128x16xf32, #tpu.memory_space<vmem>>) target(%dma_start3A_416 : memref<2000x16xf32, #tpu.memory_space<vmem_shared>>) offsets(%dma_start3A_413 : memref<128xi32, #tpu.memory_space<vmem>>) semaphore(%arg9 : memref<!tpu.dma_semaphore, #tpu.memory_space<semaphore_mem>>) {add = true}
    %dma_start3A_417 = arith.constant 12 : i32
    %dma_start3A_418 = arith.constant 1536 : i32
    %dma_start3A_419 = arith.constant 0 : i32
    %dma_start3A_420 = tpu.memref_slice %arg6[%dma_start3A_418, %dma_start3A_419] : memref<1664x16xf32, #tpu.memory_space<vmem>> -> memref<128x16xf32, #tpu.memory_space<vmem>>
    %dma_start3A_421 = arith.constant 0 : i32
    %dma_start3A_422 = tpu.memref_slice %arg7[%dma_start3A_417, %dma_start3A_421] : memref<13x128xi32, #tpu.memory_space<vmem>> -> memref<1x128xi32, #tpu.memory_space<vmem>>
    %dma_start3A_423 = tpu.memref_squeeze %dma_start3A_422 : memref<1x128xi32, #tpu.memory_space<vmem>> -> memref<128xi32, #tpu.memory_space<vmem>>
    %dma_start3A_424 = arith.constant 0 : i32
    %dma_start3A_425 = arith.constant 0 : i32
    %dma_start3A_426 = tpu.memref_slice %arg8[%dma_start3A_424, %dma_start3A_425] : memref<2000x16xf32, #tpu.memory_space<vmem_shared>> -> memref<2000x16xf32, #tpu.memory_space<vmem_shared>>
    tpu.enqueue_indirect_dma source(%dma_start3A_420 : memref<128x16xf32, #tpu.memory_space<vmem>>) target(%dma_start3A_426 : memref<2000x16xf32, #tpu.memory_space<vmem_shared>>) offsets(%dma_start3A_423 : memref<128xi32, #tpu.memory_space<vmem>>) semaphore(%arg9 : memref<!tpu.dma_semaphore, #tpu.memory_space<semaphore_mem>>) {add = true}
    %dma_wait3A_427 = arith.constant 0 : i32
    %dma_wait3A_428 = arith.constant 0 : i32
    %dma_wait3A_429 = arith.constant 0 : i32
    %dma_wait3A_430 = tpu.memref_slice %arg6[%dma_wait3A_428, %dma_wait3A_429] : memref<1664x16xf32, #tpu.memory_space<vmem>> -> memref<128x16xf32, #tpu.memory_space<vmem>>
    %dma_wait3A_431 = arith.constant 0 : i32
    %dma_wait3A_432 = tpu.memref_slice %arg7[%dma_wait3A_427, %dma_wait3A_431] : memref<13x128xi32, #tpu.memory_space<vmem>> -> memref<1x128xi32, #tpu.memory_space<vmem>>
    %dma_wait3A_433 = tpu.memref_squeeze %dma_wait3A_432 : memref<1x128xi32, #tpu.memory_space<vmem>> -> memref<128xi32, #tpu.memory_space<vmem>>
    %dma_wait3A_434 = arith.constant 0 : i32
    %dma_wait3A_435 = arith.constant 0 : i32
    %dma_wait3A_436 = tpu.memref_slice %arg8[%dma_wait3A_434, %dma_wait3A_435] : memref<2000x16xf32, #tpu.memory_space<vmem_shared>> -> memref<2000x16xf32, #tpu.memory_space<vmem_shared>>
    tpu.wait_indirect_dma semaphore(%arg9 : memref<!tpu.dma_semaphore, #tpu.memory_space<semaphore_mem>>) src(%dma_wait3A_430 : memref<128x16xf32, #tpu.memory_space<vmem>>) dst(%dma_wait3A_436 : memref<2000x16xf32, #tpu.memory_space<vmem_shared>>)
    %dma_wait3A_437 = arith.constant 1 : i32
    %dma_wait3A_438 = arith.constant 128 : i32
    %dma_wait3A_439 = arith.constant 0 : i32
    %dma_wait3A_440 = tpu.memref_slice %arg6[%dma_wait3A_438, %dma_wait3A_439] : memref<1664x16xf32, #tpu.memory_space<vmem>> -> memref<128x16xf32, #tpu.memory_space<vmem>>
    %dma_wait3A_441 = arith.constant 0 : i32
    %dma_wait3A_442 = tpu.memref_slice %arg7[%dma_wait3A_437, %dma_wait3A_441] : memref<13x128xi32, #tpu.memory_space<vmem>> -> memref<1x128xi32, #tpu.memory_space<vmem>>
    %dma_wait3A_443 = tpu.memref_squeeze %dma_wait3A_442 : memref<1x128xi32, #tpu.memory_space<vmem>> -> memref<128xi32, #tpu.memory_space<vmem>>
    %dma_wait3A_444 = arith.constant 0 : i32
    %dma_wait3A_445 = arith.constant 0 : i32
    %dma_wait3A_446 = tpu.memref_slice %arg8[%dma_wait3A_444, %dma_wait3A_445] : memref<2000x16xf32, #tpu.memory_space<vmem_shared>> -> memref<2000x16xf32, #tpu.memory_space<vmem_shared>>
    tpu.wait_indirect_dma semaphore(%arg9 : memref<!tpu.dma_semaphore, #tpu.memory_space<semaphore_mem>>) src(%dma_wait3A_440 : memref<128x16xf32, #tpu.memory_space<vmem>>) dst(%dma_wait3A_446 : memref<2000x16xf32, #tpu.memory_space<vmem_shared>>)
    %dma_wait3A_447 = arith.constant 2 : i32
    %dma_wait3A_448 = arith.constant 256 : i32
    %dma_wait3A_449 = arith.constant 0 : i32
    %dma_wait3A_450 = tpu.memref_slice %arg6[%dma_wait3A_448, %dma_wait3A_449] : memref<1664x16xf32, #tpu.memory_space<vmem>> -> memref<128x16xf32, #tpu.memory_space<vmem>>
    %dma_wait3A_451 = arith.constant 0 : i32
    %dma_wait3A_452 = tpu.memref_slice %arg7[%dma_wait3A_447, %dma_wait3A_451] : memref<13x128xi32, #tpu.memory_space<vmem>> -> memref<1x128xi32, #tpu.memory_space<vmem>>
    %dma_wait3A_453 = tpu.memref_squeeze %dma_wait3A_452 : memref<1x128xi32, #tpu.memory_space<vmem>> -> memref<128xi32, #tpu.memory_space<vmem>>
    %dma_wait3A_454 = arith.constant 0 : i32
    %dma_wait3A_455 = arith.constant 0 : i32
    %dma_wait3A_456 = tpu.memref_slice %arg8[%dma_wait3A_454, %dma_wait3A_455] : memref<2000x16xf32, #tpu.memory_space<vmem_shared>> -> memref<2000x16xf32, #tpu.memory_space<vmem_shared>>
    tpu.wait_indirect_dma semaphore(%arg9 : memref<!tpu.dma_semaphore, #tpu.memory_space<semaphore_mem>>) src(%dma_wait3A_450 : memref<128x16xf32, #tpu.memory_space<vmem>>) dst(%dma_wait3A_456 : memref<2000x16xf32, #tpu.memory_space<vmem_shared>>)
    %dma_wait3A_457 = arith.constant 3 : i32
    %dma_wait3A_458 = arith.constant 384 : i32
    %dma_wait3A_459 = arith.constant 0 : i32
    %dma_wait3A_460 = tpu.memref_slice %arg6[%dma_wait3A_458, %dma_wait3A_459] : memref<1664x16xf32, #tpu.memory_space<vmem>> -> memref<128x16xf32, #tpu.memory_space<vmem>>
    %dma_wait3A_461 = arith.constant 0 : i32
    %dma_wait3A_462 = tpu.memref_slice %arg7[%dma_wait3A_457, %dma_wait3A_461] : memref<13x128xi32, #tpu.memory_space<vmem>> -> memref<1x128xi32, #tpu.memory_space<vmem>>
    %dma_wait3A_463 = tpu.memref_squeeze %dma_wait3A_462 : memref<1x128xi32, #tpu.memory_space<vmem>> -> memref<128xi32, #tpu.memory_space<vmem>>
    %dma_wait3A_464 = arith.constant 0 : i32
    %dma_wait3A_465 = arith.constant 0 : i32
    %dma_wait3A_466 = tpu.memref_slice %arg8[%dma_wait3A_464, %dma_wait3A_465] : memref<2000x16xf32, #tpu.memory_space<vmem_shared>> -> memref<2000x16xf32, #tpu.memory_space<vmem_shared>>
    tpu.wait_indirect_dma semaphore(%arg9 : memref<!tpu.dma_semaphore, #tpu.memory_space<semaphore_mem>>) src(%dma_wait3A_460 : memref<128x16xf32, #tpu.memory_space<vmem>>) dst(%dma_wait3A_466 : memref<2000x16xf32, #tpu.memory_space<vmem_shared>>)
    %dma_wait3A_467 = arith.constant 4 : i32
    %dma_wait3A_468 = arith.constant 512 : i32
    %dma_wait3A_469 = arith.constant 0 : i32
    %dma_wait3A_470 = tpu.memref_slice %arg6[%dma_wait3A_468, %dma_wait3A_469] : memref<1664x16xf32, #tpu.memory_space<vmem>> -> memref<128x16xf32, #tpu.memory_space<vmem>>
    %dma_wait3A_471 = arith.constant 0 : i32
    %dma_wait3A_472 = tpu.memref_slice %arg7[%dma_wait3A_467, %dma_wait3A_471] : memref<13x128xi32, #tpu.memory_space<vmem>> -> memref<1x128xi32, #tpu.memory_space<vmem>>
    %dma_wait3A_473 = tpu.memref_squeeze %dma_wait3A_472 : memref<1x128xi32, #tpu.memory_space<vmem>> -> memref<128xi32, #tpu.memory_space<vmem>>
    %dma_wait3A_474 = arith.constant 0 : i32
    %dma_wait3A_475 = arith.constant 0 : i32
    %dma_wait3A_476 = tpu.memref_slice %arg8[%dma_wait3A_474, %dma_wait3A_475] : memref<2000x16xf32, #tpu.memory_space<vmem_shared>> -> memref<2000x16xf32, #tpu.memory_space<vmem_shared>>
    tpu.wait_indirect_dma semaphore(%arg9 : memref<!tpu.dma_semaphore, #tpu.memory_space<semaphore_mem>>) src(%dma_wait3A_470 : memref<128x16xf32, #tpu.memory_space<vmem>>) dst(%dma_wait3A_476 : memref<2000x16xf32, #tpu.memory_space<vmem_shared>>)
    %dma_wait3A_477 = arith.constant 5 : i32
    %dma_wait3A_478 = arith.constant 640 : i32
    %dma_wait3A_479 = arith.constant 0 : i32
    %dma_wait3A_480 = tpu.memref_slice %arg6[%dma_wait3A_478, %dma_wait3A_479] : memref<1664x16xf32, #tpu.memory_space<vmem>> -> memref<128x16xf32, #tpu.memory_space<vmem>>
    %dma_wait3A_481 = arith.constant 0 : i32
    %dma_wait3A_482 = tpu.memref_slice %arg7[%dma_wait3A_477, %dma_wait3A_481] : memref<13x128xi32, #tpu.memory_space<vmem>> -> memref<1x128xi32, #tpu.memory_space<vmem>>
    %dma_wait3A_483 = tpu.memref_squeeze %dma_wait3A_482 : memref<1x128xi32, #tpu.memory_space<vmem>> -> memref<128xi32, #tpu.memory_space<vmem>>
    %dma_wait3A_484 = arith.constant 0 : i32
    %dma_wait3A_485 = arith.constant 0 : i32
    %dma_wait3A_486 = tpu.memref_slice %arg8[%dma_wait3A_484, %dma_wait3A_485] : memref<2000x16xf32, #tpu.memory_space<vmem_shared>> -> memref<2000x16xf32, #tpu.memory_space<vmem_shared>>
    tpu.wait_indirect_dma semaphore(%arg9 : memref<!tpu.dma_semaphore, #tpu.memory_space<semaphore_mem>>) src(%dma_wait3A_480 : memref<128x16xf32, #tpu.memory_space<vmem>>) dst(%dma_wait3A_486 : memref<2000x16xf32, #tpu.memory_space<vmem_shared>>)
    %dma_wait3A_487 = arith.constant 6 : i32
    %dma_wait3A_488 = arith.constant 768 : i32
    %dma_wait3A_489 = arith.constant 0 : i32
    %dma_wait3A_490 = tpu.memref_slice %arg6[%dma_wait3A_488, %dma_wait3A_489] : memref<1664x16xf32, #tpu.memory_space<vmem>> -> memref<128x16xf32, #tpu.memory_space<vmem>>
    %dma_wait3A_491 = arith.constant 0 : i32
    %dma_wait3A_492 = tpu.memref_slice %arg7[%dma_wait3A_487, %dma_wait3A_491] : memref<13x128xi32, #tpu.memory_space<vmem>> -> memref<1x128xi32, #tpu.memory_space<vmem>>
    %dma_wait3A_493 = tpu.memref_squeeze %dma_wait3A_492 : memref<1x128xi32, #tpu.memory_space<vmem>> -> memref<128xi32, #tpu.memory_space<vmem>>
    %dma_wait3A_494 = arith.constant 0 : i32
    %dma_wait3A_495 = arith.constant 0 : i32
    %dma_wait3A_496 = tpu.memref_slice %arg8[%dma_wait3A_494, %dma_wait3A_495] : memref<2000x16xf32, #tpu.memory_space<vmem_shared>> -> memref<2000x16xf32, #tpu.memory_space<vmem_shared>>
    tpu.wait_indirect_dma semaphore(%arg9 : memref<!tpu.dma_semaphore, #tpu.memory_space<semaphore_mem>>) src(%dma_wait3A_490 : memref<128x16xf32, #tpu.memory_space<vmem>>) dst(%dma_wait3A_496 : memref<2000x16xf32, #tpu.memory_space<vmem_shared>>)
    %dma_wait3A_497 = arith.constant 7 : i32
    %dma_wait3A_498 = arith.constant 896 : i32
    %dma_wait3A_499 = arith.constant 0 : i32
    %dma_wait3A_500 = tpu.memref_slice %arg6[%dma_wait3A_498, %dma_wait3A_499] : memref<1664x16xf32, #tpu.memory_space<vmem>> -> memref<128x16xf32, #tpu.memory_space<vmem>>
    %dma_wait3A_501 = arith.constant 0 : i32
    %dma_wait3A_502 = tpu.memref_slice %arg7[%dma_wait3A_497, %dma_wait3A_501] : memref<13x128xi32, #tpu.memory_space<vmem>> -> memref<1x128xi32, #tpu.memory_space<vmem>>
    %dma_wait3A_503 = tpu.memref_squeeze %dma_wait3A_502 : memref<1x128xi32, #tpu.memory_space<vmem>> -> memref<128xi32, #tpu.memory_space<vmem>>
    %dma_wait3A_504 = arith.constant 0 : i32
    %dma_wait3A_505 = arith.constant 0 : i32
    %dma_wait3A_506 = tpu.memref_slice %arg8[%dma_wait3A_504, %dma_wait3A_505] : memref<2000x16xf32, #tpu.memory_space<vmem_shared>> -> memref<2000x16xf32, #tpu.memory_space<vmem_shared>>
    tpu.wait_indirect_dma semaphore(%arg9 : memref<!tpu.dma_semaphore, #tpu.memory_space<semaphore_mem>>) src(%dma_wait3A_500 : memref<128x16xf32, #tpu.memory_space<vmem>>) dst(%dma_wait3A_506 : memref<2000x16xf32, #tpu.memory_space<vmem_shared>>)
    %dma_wait3A_507 = arith.constant 8 : i32
    %dma_wait3A_508 = arith.constant 1024 : i32
    %dma_wait3A_509 = arith.constant 0 : i32
    %dma_wait3A_510 = tpu.memref_slice %arg6[%dma_wait3A_508, %dma_wait3A_509] : memref<1664x16xf32, #tpu.memory_space<vmem>> -> memref<128x16xf32, #tpu.memory_space<vmem>>
    %dma_wait3A_511 = arith.constant 0 : i32
    %dma_wait3A_512 = tpu.memref_slice %arg7[%dma_wait3A_507, %dma_wait3A_511] : memref<13x128xi32, #tpu.memory_space<vmem>> -> memref<1x128xi32, #tpu.memory_space<vmem>>
    %dma_wait3A_513 = tpu.memref_squeeze %dma_wait3A_512 : memref<1x128xi32, #tpu.memory_space<vmem>> -> memref<128xi32, #tpu.memory_space<vmem>>
    %dma_wait3A_514 = arith.constant 0 : i32
    %dma_wait3A_515 = arith.constant 0 : i32
    %dma_wait3A_516 = tpu.memref_slice %arg8[%dma_wait3A_514, %dma_wait3A_515] : memref<2000x16xf32, #tpu.memory_space<vmem_shared>> -> memref<2000x16xf32, #tpu.memory_space<vmem_shared>>
    tpu.wait_indirect_dma semaphore(%arg9 : memref<!tpu.dma_semaphore, #tpu.memory_space<semaphore_mem>>) src(%dma_wait3A_510 : memref<128x16xf32, #tpu.memory_space<vmem>>) dst(%dma_wait3A_516 : memref<2000x16xf32, #tpu.memory_space<vmem_shared>>)
    %dma_wait3A_517 = arith.constant 9 : i32
    %dma_wait3A_518 = arith.constant 1152 : i32
    %dma_wait3A_519 = arith.constant 0 : i32
    %dma_wait3A_520 = tpu.memref_slice %arg6[%dma_wait3A_518, %dma_wait3A_519] : memref<1664x16xf32, #tpu.memory_space<vmem>> -> memref<128x16xf32, #tpu.memory_space<vmem>>
    %dma_wait3A_521 = arith.constant 0 : i32
    %dma_wait3A_522 = tpu.memref_slice %arg7[%dma_wait3A_517, %dma_wait3A_521] : memref<13x128xi32, #tpu.memory_space<vmem>> -> memref<1x128xi32, #tpu.memory_space<vmem>>
    %dma_wait3A_523 = tpu.memref_squeeze %dma_wait3A_522 : memref<1x128xi32, #tpu.memory_space<vmem>> -> memref<128xi32, #tpu.memory_space<vmem>>
    %dma_wait3A_524 = arith.constant 0 : i32
    %dma_wait3A_525 = arith.constant 0 : i32
    %dma_wait3A_526 = tpu.memref_slice %arg8[%dma_wait3A_524, %dma_wait3A_525] : memref<2000x16xf32, #tpu.memory_space<vmem_shared>> -> memref<2000x16xf32, #tpu.memory_space<vmem_shared>>
    tpu.wait_indirect_dma semaphore(%arg9 : memref<!tpu.dma_semaphore, #tpu.memory_space<semaphore_mem>>) src(%dma_wait3A_520 : memref<128x16xf32, #tpu.memory_space<vmem>>) dst(%dma_wait3A_526 : memref<2000x16xf32, #tpu.memory_space<vmem_shared>>)
    %dma_wait3A_527 = arith.constant 10 : i32
    %dma_wait3A_528 = arith.constant 1280 : i32
    %dma_wait3A_529 = arith.constant 0 : i32
    %dma_wait3A_530 = tpu.memref_slice %arg6[%dma_wait3A_528, %dma_wait3A_529] : memref<1664x16xf32, #tpu.memory_space<vmem>> -> memref<128x16xf32, #tpu.memory_space<vmem>>
    %dma_wait3A_531 = arith.constant 0 : i32
    %dma_wait3A_532 = tpu.memref_slice %arg7[%dma_wait3A_527, %dma_wait3A_531] : memref<13x128xi32, #tpu.memory_space<vmem>> -> memref<1x128xi32, #tpu.memory_space<vmem>>
    %dma_wait3A_533 = tpu.memref_squeeze %dma_wait3A_532 : memref<1x128xi32, #tpu.memory_space<vmem>> -> memref<128xi32, #tpu.memory_space<vmem>>
    %dma_wait3A_534 = arith.constant 0 : i32
    %dma_wait3A_535 = arith.constant 0 : i32
    %dma_wait3A_536 = tpu.memref_slice %arg8[%dma_wait3A_534, %dma_wait3A_535] : memref<2000x16xf32, #tpu.memory_space<vmem_shared>> -> memref<2000x16xf32, #tpu.memory_space<vmem_shared>>
    tpu.wait_indirect_dma semaphore(%arg9 : memref<!tpu.dma_semaphore, #tpu.memory_space<semaphore_mem>>) src(%dma_wait3A_530 : memref<128x16xf32, #tpu.memory_space<vmem>>) dst(%dma_wait3A_536 : memref<2000x16xf32, #tpu.memory_space<vmem_shared>>)
    %dma_wait3A_537 = arith.constant 11 : i32
    %dma_wait3A_538 = arith.constant 1408 : i32
    %dma_wait3A_539 = arith.constant 0 : i32
    %dma_wait3A_540 = tpu.memref_slice %arg6[%dma_wait3A_538, %dma_wait3A_539] : memref<1664x16xf32, #tpu.memory_space<vmem>> -> memref<128x16xf32, #tpu.memory_space<vmem>>
    %dma_wait3A_541 = arith.constant 0 : i32
    %dma_wait3A_542 = tpu.memref_slice %arg7[%dma_wait3A_537, %dma_wait3A_541] : memref<13x128xi32, #tpu.memory_space<vmem>> -> memref<1x128xi32, #tpu.memory_space<vmem>>
    %dma_wait3A_543 = tpu.memref_squeeze %dma_wait3A_542 : memref<1x128xi32, #tpu.memory_space<vmem>> -> memref<128xi32, #tpu.memory_space<vmem>>
    %dma_wait3A_544 = arith.constant 0 : i32
    %dma_wait3A_545 = arith.constant 0 : i32
    %dma_wait3A_546 = tpu.memref_slice %arg8[%dma_wait3A_544, %dma_wait3A_545] : memref<2000x16xf32, #tpu.memory_space<vmem_shared>> -> memref<2000x16xf32, #tpu.memory_space<vmem_shared>>
    tpu.wait_indirect_dma semaphore(%arg9 : memref<!tpu.dma_semaphore, #tpu.memory_space<semaphore_mem>>) src(%dma_wait3A_540 : memref<128x16xf32, #tpu.memory_space<vmem>>) dst(%dma_wait3A_546 : memref<2000x16xf32, #tpu.memory_space<vmem_shared>>)
    %dma_wait3A_547 = arith.constant 12 : i32
    %dma_wait3A_548 = arith.constant 1536 : i32
    %dma_wait3A_549 = arith.constant 0 : i32
    %dma_wait3A_550 = tpu.memref_slice %arg6[%dma_wait3A_548, %dma_wait3A_549] : memref<1664x16xf32, #tpu.memory_space<vmem>> -> memref<128x16xf32, #tpu.memory_space<vmem>>
    %dma_wait3A_551 = arith.constant 0 : i32
    %dma_wait3A_552 = tpu.memref_slice %arg7[%dma_wait3A_547, %dma_wait3A_551] : memref<13x128xi32, #tpu.memory_space<vmem>> -> memref<1x128xi32, #tpu.memory_space<vmem>>
    %dma_wait3A_553 = tpu.memref_squeeze %dma_wait3A_552 : memref<1x128xi32, #tpu.memory_space<vmem>> -> memref<128xi32, #tpu.memory_space<vmem>>
    %dma_wait3A_554 = arith.constant 0 : i32
    %dma_wait3A_555 = arith.constant 0 : i32
    %dma_wait3A_556 = tpu.memref_slice %arg8[%dma_wait3A_554, %dma_wait3A_555] : memref<2000x16xf32, #tpu.memory_space<vmem_shared>> -> memref<2000x16xf32, #tpu.memory_space<vmem_shared>>
    tpu.wait_indirect_dma semaphore(%arg9 : memref<!tpu.dma_semaphore, #tpu.memory_space<semaphore_mem>>) src(%dma_wait3A_550 : memref<128x16xf32, #tpu.memory_space<vmem>>) dst(%dma_wait3A_556 : memref<2000x16xf32, #tpu.memory_space<vmem_shared>>)
    %barrier3A_557 = arith.constant 0 : index
    tpu.barrier barrier_id(%barrier3A_557)
    %eq3A_558 = arith.constant 0 : i32
    %eq3A_559 = arith.cmpi eq, %arg1, %eq3A_558 : i32
    %convert_element_type3A_560 = arith.extui %eq3A_559 : i1 to i32
    %cond3A_561 = arith.constant 0 : i32
    %cond3A_562 = arith.cmpi ne, %convert_element_type3A_560, %cond3A_561 : i32
    scf.if %cond3A_562 {
      "tpu.region"() ({
        %run_scoped3A = tpu.sem_alloc : memref<!tpu.dma_semaphore, #tpu.memory_space<semaphore_mem>>
        %dma_start3A_563 = arith.constant 0 : i32
        %dma_start3A_564 = arith.constant 0 : i32
        %dma_start3A_565 = tpu.memref_slice %arg5[%arg0, %dma_start3A_563, %dma_start3A_564] : memref<2x2000x16xf32, #tpu.memory_space<hbm>> -> memref<1x2000x16xf32, #tpu.memory_space<hbm>>
        %dma_start3A_566 = tpu.memref_squeeze %dma_start3A_565 : memref<1x2000x16xf32, #tpu.memory_space<hbm>> -> memref<2000x16xf32, #tpu.memory_space<hbm>>
        tpu.enqueue_dma source(%arg8 : memref<2000x16xf32, #tpu.memory_space<vmem_shared>>) target(%dma_start3A_566 : memref<2000x16xf32, #tpu.memory_space<hbm>>) target_semaphore(%run_scoped3A : memref<!tpu.dma_semaphore, #tpu.memory_space<semaphore_mem>>)
        %dma_wait3A_567 = arith.constant 0 : i32
        %dma_wait3A_568 = arith.constant 0 : i32
        %dma_wait3A_569 = tpu.memref_slice %arg5[%arg0, %dma_wait3A_567, %dma_wait3A_568] : memref<2x2000x16xf32, #tpu.memory_space<hbm>> -> memref<1x2000x16xf32, #tpu.memory_space<hbm>>
        %dma_wait3A_570 = tpu.memref_squeeze %dma_wait3A_569 : memref<1x2000x16xf32, #tpu.memory_space<hbm>> -> memref<2000x16xf32, #tpu.memory_space<hbm>>
        tpu.wait_dma2 semaphore(%run_scoped3A : memref<!tpu.dma_semaphore, #tpu.memory_space<semaphore_mem>>) src(%arg8 : memref<2000x16xf32, #tpu.memory_space<vmem_shared>>) dst(%dma_wait3A_570 : memref<2000x16xf32, #tpu.memory_space<hbm>>)
        tpu.yield
      }) : () -> ()
    } else {
    }
    return
  }
}

module attributes {stable_mosaic.version = 14 : i64} {
  func.func @_dense_body(%arg0: i32, %arg1: memref<4096x256xf32, #tpu.memory_space<vmem>>, %arg2: memref<4096x256xf32, #tpu.memory_space<vmem>>, %arg3: memref<4096x256xf32, #tpu.memory_space<vmem>>, %arg4: memref<256x10xf32, #tpu.memory_space<vmem>>, %arg5: memref<4096x128xf32, #tpu.memory_space<vmem>>) attributes {dimension_semantics = [#tpu.dimension_semantics<arbitrary>], iteration_bounds = array<i64: 13>, scalar_prefetch = 0 : i64, scratch_operands = 0 : i64, tpu.core_type = #tpu.core_type<tc>, window_params = [{transform_indices = @transform_0, window_bounds = array<i64: 4096, 256>}, {transform_indices = @transform_1, window_bounds = array<i64: 4096, 256>}, {transform_indices = @transform_2, window_bounds = array<i64: 4096, 256>}, {pipeline_mode = #tpu.pipeline_mode<synchronous>, transform_indices = @transform_3, window_bounds = array<i64: 256, 10>}, {transform_indices = @transform_4, window_bounds = array<i64: 4096, 128>}]} {
    %get3A = arith.constant 0 : index
    %get3A_0 = arith.constant 0 : index
    %get3A_1 = vector.load %arg1[%get3A, %get3A_0] : memref<4096x256xf32, #tpu.memory_space<vmem>>, vector<4096x256xf32>
    %get3A_2 = arith.constant 0 : index
    %get3A_3 = arith.constant 0 : index
    %get3A_4 = vector.load %arg2[%get3A_2, %get3A_3] : memref<4096x256xf32, #tpu.memory_space<vmem>>, vector<4096x256xf32>
    %max3A = arith.maximumf %get3A_1, %get3A_4 : vector<4096x256xf32>
    %get3A_5 = arith.constant 0 : index
    %get3A_6 = arith.constant 0 : index
    %get3A_7 = vector.load %arg3[%get3A_5, %get3A_6] : memref<4096x256xf32, #tpu.memory_space<vmem>>, vector<4096x256xf32>
    %max3A_8 = arith.maximumf %max3A, %get3A_7 : vector<4096x256xf32>
    %get3A_9 = arith.constant 0 : index
    %get3A_10 = arith.constant 0 : index
    %get3A_11 = vector.load %arg4[%get3A_9, %get3A_10] : memref<256x10xf32, #tpu.memory_space<vmem>>, vector<256x10xf32>
    %dot_general3A = arith.constant dense<0.000000e+00> : vector<4096x10xf32>
    %dot_general3A_12 = tpu.matmul %max3A_8, %get3A_11, %dot_general3A {dimension_numbers = #tpu.dot_dimension_numbers<[1], [0], [0], [1], [0, 0, 1, 1], [], []>, transpose_lhs_hint = false} : vector<4096x256xf32>, vector<256x10xf32>, vector<4096x10xf32> -> vector<4096x10xf32>
    %broadcast_in_dim3A = arith.constant 0.000000e+00 : f32
    %broadcast_in_dim3A_13 = vector.broadcast %broadcast_in_dim3A : f32 to vector<4096x6xf32>
    %iota3A = tpu.iota {dimensions = array<i32: 1>} : vector<4096x6xi32>
    %eq3A = arith.constant 0 : i32
    %eq3A_14 = vector.broadcast %eq3A : i32 to vector<4096x6xi32>
    %eq3A_15 = arith.cmpi eq, %iota3A, %eq3A_14 : vector<4096x6xi32>
    %convert_element_type3A = arith.extui %eq3A_15 : vector<4096x6xi1> to vector<4096x6xi32>
    %convert_element_type3A_16 = arith.sitofp %convert_element_type3A : vector<4096x6xi32> to vector<4096x6xf32>
    %add3A = arith.addf %broadcast_in_dim3A_13, %convert_element_type3A_16 : vector<4096x6xf32>
    %concatenate3A = tpu.concatenate %dot_general3A_12, %add3A in 1 : vector<4096x10xf32>, vector<4096x6xf32> -> vector<4096x16xf32>
    %iota3A_17 = tpu.iota {dimensions = array<i32: 0>} : vector<4096x16xi32>
    %mul3A = arith.constant 4096 : i32
    %mul3A_18 = arith.muli %arg0, %mul3A : i32
    %add3A_19 = vector.broadcast %mul3A_18 : i32 to vector<4096x16xi32>
    %add3A_20 = arith.addi %add3A_19, %iota3A_17 : vector<4096x16xi32>
    %lt3A = arith.constant 50000 : i32
    %lt3A_21 = vector.broadcast %lt3A : i32 to vector<4096x16xi32>
    %lt3A_22 = arith.cmpi slt, %add3A_20, %lt3A_21 : vector<4096x16xi32>
    %jit3A = arith.constant 0.000000e+00 : f32
    %broadcast_in_dim3A_23 = vector.broadcast %jit3A : f32 to vector<4096x16xf32>
    %select_n3A = arith.select %lt3A_22, %concatenate3A, %broadcast_in_dim3A_23 : vector<4096x16xi1>, vector<4096x16xf32>
    %broadcast_in_dim3A_24 = arith.constant 0.000000e+00 : f32
    %broadcast_in_dim3A_25 = vector.broadcast %broadcast_in_dim3A_24 : f32 to vector<4096x112xf32>
    %concatenate3A_26 = tpu.concatenate %select_n3A, %broadcast_in_dim3A_25 in 1 : vector<4096x16xf32>, vector<4096x112xf32> -> vector<4096x128xf32>
    %swap3A = arith.constant 0 : index
    %swap3A_27 = arith.constant 0 : index
    %swap3A_28 = vector.load %arg5[%swap3A, %swap3A_27] : memref<4096x128xf32, #tpu.memory_space<vmem>>, vector<4096x128xf32>
    tpu.vector_store %arg5[%swap3A, %swap3A_27], %concatenate3A_26 {strides = array<i32>} : memref<4096x128xf32, #tpu.memory_space<vmem>>, vector<4096x128xf32>,
    return
  }
  func.func @transform_0(%arg0: i32) -> (i32, i32) {
    %min3A = arith.constant 12 : i32
    %min3A_0 = arith.minsi %arg0, %min3A : i32
    %c0_i32 = arith.constant 0 : i32
    %c0_i32_1 = arith.constant 0 : i32
    return %min3A_0, %c0_i32 : i32, i32
  }
  func.func @transform_1(%arg0: i32) -> (i32, i32) {
    %min3A = arith.constant 12 : i32
    %min3A_0 = arith.minsi %arg0, %min3A : i32
    %c0_i32 = arith.constant 0 : i32
    %c0_i32_1 = arith.constant 0 : i32
    return %min3A_0, %c0_i32 : i32, i32
  }
  func.func @transform_2(%arg0: i32) -> (i32, i32) {
    %min3A = arith.constant 12 : i32
    %min3A_0 = arith.minsi %arg0, %min3A : i32
    %c0_i32 = arith.constant 0 : i32
    %c0_i32_1 = arith.constant 0 : i32
    return %min3A_0, %c0_i32 : i32, i32
  }
  func.func @transform_3(%arg0: i32) -> (i32, i32) {
    %c0_i32 = arith.constant 0 : i32
    %c0_i32_0 = arith.constant 0 : i32
    %c0_i32_1 = arith.constant 0 : i32
    return %c0_i32, %c0_i32_0 : i32, i32
  }
  func.func @transform_4(%arg0: i32) -> (i32, i32) {
    %c0_i32 = arith.constant 0 : i32
    %c0_i32_0 = arith.constant 0 : i32
    return %arg0, %c0_i32 : i32, i32
  }
}

module attributes {stable_mosaic.version = 14 : i64} {
  func.func @_ep_body(%arg0: memref<500x128xf32, #tpu.memory_space<vmem>>, %arg1: memref<1x10xf32, #tpu.memory_space<vmem>>, %arg2: memref<2000x10xf32, #tpu.memory_space<vmem>>) attributes {dimension_semantics = [], scalar_prefetch = 0 : i64, scratch_operands = 0 : i64, tpu.core_type = #tpu.core_type<tc>} {
    %get3A = arith.constant 0 : index
    %get3A_0 = arith.constant 0 : index
    %get3A_1 = vector.load %arg0[%get3A, %get3A_0] : memref<500x128xf32, #tpu.memory_space<vmem>>, vector<250x128xf32>
    %get3A_2 = arith.constant 250 : index
    %get3A_3 = arith.constant 0 : index
    %get3A_4 = vector.load %arg0[%get3A_2, %get3A_3] : memref<500x128xf32, #tpu.memory_space<vmem>>, vector<250x128xf32>
    %add3A = arith.addf %get3A_1, %get3A_4 : vector<250x128xf32>
    %iota3A = tpu.iota {dimensions = array<i32: 1>} : vector<250x128xi32>
    %jit3A = arith.constant 16 : i32
    %eq3A = arith.constant 0 : i32
    %eq3A_5 = arith.cmpi eq, %jit3A, %eq3A : i32
    %jit3A_6 = arith.constant 1 : i32
    %select_n3A = arith.select %eq3A_5, %jit3A_6, %jit3A : i32
    %rem3A = vector.broadcast %select_n3A : i32 to vector<250x128xi32>
    %rem3A_7 = arith.remsi %iota3A, %rem3A : vector<250x128xi32>
    %ne3A = arith.constant 0 : i32
    %ne3A_8 = vector.broadcast %ne3A : i32 to vector<250x128xi32>
    %ne3A_9 = arith.cmpi ne, %rem3A_7, %ne3A_8 : vector<250x128xi32>
    %lt3A = arith.constant 0 : i32
    %lt3A_10 = vector.broadcast %lt3A : i32 to vector<250x128xi32>
    %lt3A_11 = arith.cmpi slt, %rem3A_7, %lt3A_10 : vector<250x128xi32>
    %lt3A_12 = arith.constant 0 : i32
    %lt3A_13 = arith.cmpi slt, %select_n3A, %lt3A_12 : i32
    %ne3A_14 = vector.broadcast %lt3A_13 : i1 to vector<250x128xi1>
    %ne3A_15 = vector.broadcast %ne3A_14 : vector<250x128xi1> to vector<250x128xi1>
    %ne3A_16 = arith.xori %lt3A_11, %ne3A_15 : vector<250x128xi1>
    %and3A = arith.andi %ne3A_16, %ne3A_9 : vector<250x128xi1>
    %add3A_17 = vector.broadcast %select_n3A : i32 to vector<250x128xi32>
    %add3A_18 = arith.addi %rem3A_7, %add3A_17 : vector<250x128xi32>
    %select_n3A_19 = arith.select %and3A, %add3A_18, %rem3A_7 : vector<250x128xi1>, vector<250x128xi32>
    %eq3A_20 = arith.constant 10 : i32
    %eq3A_21 = vector.broadcast %eq3A_20 : i32 to vector<250x128xi32>
    %eq3A_22 = arith.cmpi eq, %select_n3A_19, %eq3A_21 : vector<250x128xi32>
    %jit3A_23 = arith.constant 0.000000e+00 : f32
    %broadcast_in_dim3A = vector.broadcast %jit3A_23 : f32 to vector<250x128xf32>
    %select_n3A_24 = arith.select %eq3A_22, %add3A, %broadcast_in_dim3A : vector<250x128xi1>, vector<250x128xf32>
    %iota3A_25 = tpu.iota {dimensions = array<i32: 0>} : vector<128x128xi32>
    %iota3A_26 = tpu.iota {dimensions = array<i32: 1>} : vector<128x128xi32>
    %jit3A_27 = arith.constant 16 : i32
    %div3A = vector.broadcast %jit3A_27 : i32 to vector<128x128xi32>
    %div3A_28 = arith.divsi %iota3A_25, %div3A : vector<128x128xi32>
    %sign3A = arith.constant 0 : i32
    %sign3A_29 = vector.broadcast %sign3A : i32 to vector<128x128xi32>
    %sign3A_30 = arith.cmpi sgt, %iota3A_25, %sign3A_29 : vector<128x128xi32>
    %sign3A_31 = arith.extui %sign3A_30 : vector<128x128xi1> to vector<128x128xi32>
    %sign3A_32 = arith.constant 0 : i32
    %sign3A_33 = vector.broadcast %sign3A_32 : i32 to vector<128x128xi32>
    %sign3A_34 = arith.cmpi slt, %iota3A_25, %sign3A_33 : vector<128x128xi32>
    %sign3A_35 = arith.extui %sign3A_34 : vector<128x128xi1> to vector<128x128xi32>
    %sign3A_36 = arith.subi %sign3A_31, %sign3A_35 : vector<128x128xi32>
    %sign3A_37 = arith.constant 0 : i32
    %sign3A_38 = arith.cmpi sgt, %jit3A_27, %sign3A_37 : i32
    %sign3A_39 = arith.extui %sign3A_38 : i1 to i32
    %sign3A_40 = arith.constant 0 : i32
    %sign3A_41 = arith.cmpi slt, %jit3A_27, %sign3A_40 : i32
    %sign3A_42 = arith.extui %sign3A_41 : i1 to i32
    %sign3A_43 = arith.subi %sign3A_39, %sign3A_42 : i32
    %ne3A_44 = vector.broadcast %sign3A_43 : i32 to vector<128x128xi32>
    %ne3A_45 = arith.cmpi ne, %sign3A_36, %ne3A_44 : vector<128x128xi32>
    %rem3A_46 = vector.broadcast %jit3A_27 : i32 to vector<128x128xi32>
    %rem3A_47 = arith.remsi %iota3A_25, %rem3A_46 : vector<128x128xi32>
    %ne3A_48 = arith.constant 0 : i32
    %ne3A_49 = vector.broadcast %ne3A_48 : i32 to vector<128x128xi32>
    %ne3A_50 = arith.cmpi ne, %rem3A_47, %ne3A_49 : vector<128x128xi32>
    %and3A_51 = arith.andi %ne3A_45, %ne3A_50 : vector<128x128xi1>
    %sub3A = arith.constant 1 : i32
    %sub3A_52 = vector.broadcast %sub3A : i32 to vector<128x128xi32>
    %sub3A_53 = arith.subi %div3A_28, %sub3A_52 : vector<128x128xi32>
    %select_n3A_54 = arith.select %and3A_51, %sub3A_53, %div3A_28 : vector<128x128xi1>, vector<128x128xi32>
    %jit3A_55 = arith.constant 16 : i32
    %div3A_56 = vector.broadcast %jit3A_55 : i32 to vector<128x128xi32>
    %div3A_57 = arith.divsi %iota3A_26, %div3A_56 : vector<128x128xi32>
    %sign3A_58 = arith.constant 0 : i32
    %sign3A_59 = vector.broadcast %sign3A_58 : i32 to vector<128x128xi32>
    %sign3A_60 = arith.cmpi sgt, %iota3A_26, %sign3A_59 : vector<128x128xi32>
    %sign3A_61 = arith.extui %sign3A_60 : vector<128x128xi1> to vector<128x128xi32>
    %sign3A_62 = arith.constant 0 : i32
    %sign3A_63 = vector.broadcast %sign3A_62 : i32 to vector<128x128xi32>
    %sign3A_64 = arith.cmpi slt, %iota3A_26, %sign3A_63 : vector<128x128xi32>
    %sign3A_65 = arith.extui %sign3A_64 : vector<128x128xi1> to vector<128x128xi32>
    %sign3A_66 = arith.subi %sign3A_61, %sign3A_65 : vector<128x128xi32>
    %sign3A_67 = arith.constant 0 : i32
    %sign3A_68 = arith.cmpi sgt, %jit3A_55, %sign3A_67 : i32
    %sign3A_69 = arith.extui %sign3A_68 : i1 to i32
    %sign3A_70 = arith.constant 0 : i32
    %sign3A_71 = arith.cmpi slt, %jit3A_55, %sign3A_70 : i32
    %sign3A_72 = arith.extui %sign3A_71 : i1 to i32
    %sign3A_73 = arith.subi %sign3A_69, %sign3A_72 : i32
    %ne3A_74 = vector.broadcast %sign3A_73 : i32 to vector<128x128xi32>
    %ne3A_75 = arith.cmpi ne, %sign3A_66, %ne3A_74 : vector<128x128xi32>
    %rem3A_76 = vector.broadcast %jit3A_55 : i32 to vector<128x128xi32>
    %rem3A_77 = arith.remsi %iota3A_26, %rem3A_76 : vector<128x128xi32>
    %ne3A_78 = arith.constant 0 : i32
    %ne3A_79 = vector.broadcast %ne3A_78 : i32 to vector<128x128xi32>
    %ne3A_80 = arith.cmpi ne, %rem3A_77, %ne3A_79 : vector<128x128xi32>
    %and3A_81 = arith.andi %ne3A_75, %ne3A_80 : vector<128x128xi1>
    %sub3A_82 = arith.constant 1 : i32
    %sub3A_83 = vector.broadcast %sub3A_82 : i32 to vector<128x128xi32>
    %sub3A_84 = arith.subi %div3A_57, %sub3A_83 : vector<128x128xi32>
    %select_n3A_85 = arith.select %and3A_81, %sub3A_84, %div3A_57 : vector<128x128xi1>, vector<128x128xi32>
    %eq3A_86 = arith.cmpi eq, %select_n3A_54, %select_n3A_85 : vector<128x128xi32>
    %convert_element_type3A = arith.extui %eq3A_86 : vector<128x128xi1> to vector<128x128xi32>
    %convert_element_type3A_87 = arith.sitofp %convert_element_type3A : vector<128x128xi32> to vector<128x128xf32>
    %dot_general3A = arith.constant dense<0.000000e+00> : vector<250x128xf32>
    %dot_general3A_88 = tpu.matmul %select_n3A_24, %convert_element_type3A_87, %dot_general3A {dimension_numbers = #tpu.dot_dimension_numbers<[1], [0], [0], [1], [0, 0, 1, 1], [], []>, transpose_lhs_hint = false} : vector<250x128xf32>, vector<128x128xf32>, vector<250x128xf32> -> vector<250x128xf32>
    %max3A = arith.constant 1.000000e+00 : f32
    %max3A_89 = vector.broadcast %max3A : f32 to vector<250x128xf32>
    %max3A_90 = arith.maximumf %dot_general3A_88, %max3A_89 : vector<250x128xf32>
    %div3A_91 = arith.divf %add3A, %max3A_90 : vector<250x128xf32>
    %iota3A_92 = tpu.iota {dimensions = array<i32: 0>} : vector<2000x250xi32>
    %iota3A_93 = tpu.iota {dimensions = array<i32: 1>} : vector<2000x250xi32>
    %jit3A_94 = arith.constant 8 : i32
    %div3A_95 = vector.broadcast %jit3A_94 : i32 to vector<2000x250xi32>
    %div3A_96 = arith.divsi %iota3A_92, %div3A_95 : vector<2000x250xi32>
    %sign3A_97 = arith.constant 0 : i32
    %sign3A_98 = vector.broadcast %sign3A_97 : i32 to vector<2000x250xi32>
    %sign3A_99 = arith.cmpi sgt, %iota3A_92, %sign3A_98 : vector<2000x250xi32>
    %sign3A_100 = arith.extui %sign3A_99 : vector<2000x250xi1> to vector<2000x250xi32>
    %sign3A_101 = arith.constant 0 : i32
    %sign3A_102 = vector.broadcast %sign3A_101 : i32 to vector<2000x250xi32>
    %sign3A_103 = arith.cmpi slt, %iota3A_92, %sign3A_102 : vector<2000x250xi32>
    %sign3A_104 = arith.extui %sign3A_103 : vector<2000x250xi1> to vector<2000x250xi32>
    %sign3A_105 = arith.subi %sign3A_100, %sign3A_104 : vector<2000x250xi32>
    %sign3A_106 = arith.constant 0 : i32
    %sign3A_107 = arith.cmpi sgt, %jit3A_94, %sign3A_106 : i32
    %sign3A_108 = arith.extui %sign3A_107 : i1 to i32
    %sign3A_109 = arith.constant 0 : i32
    %sign3A_110 = arith.cmpi slt, %jit3A_94, %sign3A_109 : i32
    %sign3A_111 = arith.extui %sign3A_110 : i1 to i32
    %sign3A_112 = arith.subi %sign3A_108, %sign3A_111 : i32
    %ne3A_113 = vector.broadcast %sign3A_112 : i32 to vector<2000x250xi32>
    %ne3A_114 = arith.cmpi ne, %sign3A_105, %ne3A_113 : vector<2000x250xi32>
    %rem3A_115 = vector.broadcast %jit3A_94 : i32 to vector<2000x250xi32>
    %rem3A_116 = arith.remsi %iota3A_92, %rem3A_115 : vector<2000x250xi32>
    %ne3A_117 = arith.constant 0 : i32
    %ne3A_118 = vector.broadcast %ne3A_117 : i32 to vector<2000x250xi32>
    %ne3A_119 = arith.cmpi ne, %rem3A_116, %ne3A_118 : vector<2000x250xi32>
    %and3A_120 = arith.andi %ne3A_114, %ne3A_119 : vector<2000x250xi1>
    %sub3A_121 = arith.constant 1 : i32
    %sub3A_122 = vector.broadcast %sub3A_121 : i32 to vector<2000x250xi32>
    %sub3A_123 = arith.subi %div3A_96, %sub3A_122 : vector<2000x250xi32>
    %select_n3A_124 = arith.select %and3A_120, %sub3A_123, %div3A_96 : vector<2000x250xi1>, vector<2000x250xi32>
    %eq3A_125 = arith.cmpi eq, %select_n3A_124, %iota3A_93 : vector<2000x250xi32>
    %convert_element_type3A_126 = arith.extui %eq3A_125 : vector<2000x250xi1> to vector<2000x250xi32>
    %convert_element_type3A_127 = arith.sitofp %convert_element_type3A_126 : vector<2000x250xi32> to vector<2000x250xf32>
    %dot_general3A_128 = arith.constant dense<0.000000e+00> : vector<2000x128xf32>
    %dot_general3A_129 = tpu.matmul %convert_element_type3A_127, %div3A_91, %dot_general3A_128 {dimension_numbers = #tpu.dot_dimension_numbers<[1], [0], [0], [1], [0, 0, 1, 1], [], []>, transpose_lhs_hint = false} : vector<2000x250xf32>, vector<250x128xf32>, vector<2000x128xf32> -> vector<2000x128xf32>
    %iota3A_130 = tpu.iota {dimensions = array<i32: 0>} : vector<2000x16xi32>
    %broadcast_in_dim3A_131 = arith.constant 0.000000e+00 : f32
    %broadcast_in_dim3A_132 = vector.broadcast %broadcast_in_dim3A_131 : f32 to vector<2000x16xf32>
    %iota3A_133 = tpu.iota {dimensions = array<i32: 0>} : vector<128x16xi32>
    %iota3A_134 = tpu.iota {dimensions = array<i32: 1>} : vector<128x16xi32>
    %add3A_135 = arith.constant 0 : i32
    %add3A_136 = vector.broadcast %add3A_135 : i32 to vector<128x16xi32>
    %add3A_137 = arith.addi %add3A_136, %iota3A_134 : vector<128x16xi32>
    %eq3A_138 = arith.cmpi eq, %iota3A_133, %add3A_137 : vector<128x16xi32>
    %convert_element_type3A_139 = arith.extui %eq3A_138 : vector<128x16xi1> to vector<128x16xi32>
    %convert_element_type3A_140 = arith.sitofp %convert_element_type3A_139 : vector<128x16xi32> to vector<128x16xf32>
    %dot_general3A_141 = arith.constant dense<0.000000e+00> : vector<2000x16xf32>
    %dot_general3A_142 = tpu.matmul %dot_general3A_129, %convert_element_type3A_140, %dot_general3A_141 {dimension_numbers = #tpu.dot_dimension_numbers<[1], [0], [0], [1], [0, 0, 1, 1], [], []>, transpose_lhs_hint = false} : vector<2000x128xf32>, vector<128x16xf32>, vector<2000x16xf32> -> vector<2000x16xf32>
    %jit3A_143 = arith.constant 8 : i32
    %eq3A_144 = arith.constant 0 : i32
    %eq3A_145 = arith.cmpi eq, %jit3A_143, %eq3A_144 : i32
    %jit3A_146 = arith.constant 1 : i32
    %select_n3A_147 = arith.select %eq3A_145, %jit3A_146, %jit3A_143 : i32
    %rem3A_148 = vector.broadcast %select_n3A_147 : i32 to vector<2000x16xi32>
    %rem3A_149 = arith.remsi %iota3A_130, %rem3A_148 : vector<2000x16xi32>
    %ne3A_150 = arith.constant 0 : i32
    %ne3A_151 = vector.broadcast %ne3A_150 : i32 to vector<2000x16xi32>
    %ne3A_152 = arith.cmpi ne, %rem3A_149, %ne3A_151 : vector<2000x16xi32>
    %lt3A_153 = arith.constant 0 : i32
    %lt3A_154 = vector.broadcast %lt3A_153 : i32 to vector<2000x16xi32>
    %lt3A_155 = arith.cmpi slt, %rem3A_149, %lt3A_154 : vector<2000x16xi32>
    %lt3A_156 = arith.constant 0 : i32
    %lt3A_157 = arith.cmpi slt, %select_n3A_147, %lt3A_156 : i32
    %ne3A_158 = vector.broadcast %lt3A_157 : i1 to vector<2000x16xi1>
    %ne3A_159 = vector.broadcast %ne3A_158 : vector<2000x16xi1> to vector<2000x16xi1>
    %ne3A_160 = arith.xori %lt3A_155, %ne3A_159 : vector<2000x16xi1>
    %and3A_161 = arith.andi %ne3A_160, %ne3A_152 : vector<2000x16xi1>
    %add3A_162 = vector.broadcast %select_n3A_147 : i32 to vector<2000x16xi32>
    %add3A_163 = arith.addi %rem3A_149, %add3A_162 : vector<2000x16xi32>
    %select_n3A_164 = arith.select %and3A_161, %add3A_163, %rem3A_149 : vector<2000x16xi1>, vector<2000x16xi32>
    %eq3A_165 = arith.constant 0 : i32
    %eq3A_166 = vector.broadcast %eq3A_165 : i32 to vector<2000x16xi32>
    %eq3A_167 = arith.cmpi eq, %select_n3A_164, %eq3A_166 : vector<2000x16xi32>
    %select_n3A_168 = arith.select %eq3A_167, %dot_general3A_142, %broadcast_in_dim3A_132 : vector<2000x16xi1>, vector<2000x16xf32>
    %add3A_169 = arith.constant 16 : i32
    %add3A_170 = vector.broadcast %add3A_169 : i32 to vector<128x16xi32>
    %add3A_171 = arith.addi %add3A_170, %iota3A_134 : vector<128x16xi32>
    %eq3A_172 = arith.cmpi eq, %iota3A_133, %add3A_171 : vector<128x16xi32>
    %convert_element_type3A_173 = arith.extui %eq3A_172 : vector<128x16xi1> to vector<128x16xi32>
    %convert_element_type3A_174 = arith.sitofp %convert_element_type3A_173 : vector<128x16xi32> to vector<128x16xf32>
    %dot_general3A_175 = arith.constant dense<0.000000e+00> : vector<2000x16xf32>
    %dot_general3A_176 = tpu.matmul %dot_general3A_129, %convert_element_type3A_174, %dot_general3A_175 {dimension_numbers = #tpu.dot_dimension_numbers<[1], [0], [0], [1], [0, 0, 1, 1], [], []>, transpose_lhs_hint = false} : vector<2000x128xf32>, vector<128x16xf32>, vector<2000x16xf32> -> vector<2000x16xf32>
    %jit3A_177 = arith.constant 8 : i32
    %eq3A_178 = arith.constant 0 : i32
    %eq3A_179 = arith.cmpi eq, %jit3A_177, %eq3A_178 : i32
    %jit3A_180 = arith.constant 1 : i32
    %select_n3A_181 = arith.select %eq3A_179, %jit3A_180, %jit3A_177 : i32
    %rem3A_182 = vector.broadcast %select_n3A_181 : i32 to vector<2000x16xi32>
    %rem3A_183 = arith.remsi %iota3A_130, %rem3A_182 : vector<2000x16xi32>
    %ne3A_184 = arith.constant 0 : i32
    %ne3A_185 = vector.broadcast %ne3A_184 : i32 to vector<2000x16xi32>
    %ne3A_186 = arith.cmpi ne, %rem3A_183, %ne3A_185 : vector<2000x16xi32>
    %lt3A_187 = arith.constant 0 : i32
    %lt3A_188 = vector.broadcast %lt3A_187 : i32 to vector<2000x16xi32>
    %lt3A_189 = arith.cmpi slt, %rem3A_183, %lt3A_188 : vector<2000x16xi32>
    %lt3A_190 = arith.constant 0 : i32
    %lt3A_191 = arith.cmpi slt, %select_n3A_181, %lt3A_190 : i32
    %ne3A_192 = vector.broadcast %lt3A_191 : i1 to vector<2000x16xi1>
    %ne3A_193 = vector.broadcast %ne3A_192 : vector<2000x16xi1> to vector<2000x16xi1>
    %ne3A_194 = arith.xori %lt3A_189, %ne3A_193 : vector<2000x16xi1>
    %and3A_195 = arith.andi %ne3A_194, %ne3A_186 : vector<2000x16xi1>
    %add3A_196 = vector.broadcast %select_n3A_181 : i32 to vector<2000x16xi32>
    %add3A_197 = arith.addi %rem3A_183, %add3A_196 : vector<2000x16xi32>
    %select_n3A_198 = arith.select %and3A_195, %add3A_197, %rem3A_183 : vector<2000x16xi1>, vector<2000x16xi32>
    %eq3A_199 = arith.constant 1 : i32
    %eq3A_200 = vector.broadcast %eq3A_199 : i32 to vector<2000x16xi32>
    %eq3A_201 = arith.cmpi eq, %select_n3A_198, %eq3A_200 : vector<2000x16xi32>
    %select_n3A_202 = arith.select %eq3A_201, %dot_general3A_176, %select_n3A_168 : vector<2000x16xi1>, vector<2000x16xf32>
    %add3A_203 = arith.constant 32 : i32
    %add3A_204 = vector.broadcast %add3A_203 : i32 to vector<128x16xi32>
    %add3A_205 = arith.addi %add3A_204, %iota3A_134 : vector<128x16xi32>
    %eq3A_206 = arith.cmpi eq, %iota3A_133, %add3A_205 : vector<128x16xi32>
    %convert_element_type3A_207 = arith.extui %eq3A_206 : vector<128x16xi1> to vector<128x16xi32>
    %convert_element_type3A_208 = arith.sitofp %convert_element_type3A_207 : vector<128x16xi32> to vector<128x16xf32>
    %dot_general3A_209 = arith.constant dense<0.000000e+00> : vector<2000x16xf32>
    %dot_general3A_210 = tpu.matmul %dot_general3A_129, %convert_element_type3A_208, %dot_general3A_209 {dimension_numbers = #tpu.dot_dimension_numbers<[1], [0], [0], [1], [0, 0, 1, 1], [], []>, transpose_lhs_hint = false} : vector<2000x128xf32>, vector<128x16xf32>, vector<2000x16xf32> -> vector<2000x16xf32>
    %jit3A_211 = arith.constant 8 : i32
    %eq3A_212 = arith.constant 0 : i32
    %eq3A_213 = arith.cmpi eq, %jit3A_211, %eq3A_212 : i32
    %jit3A_214 = arith.constant 1 : i32
    %select_n3A_215 = arith.select %eq3A_213, %jit3A_214, %jit3A_211 : i32
    %rem3A_216 = vector.broadcast %select_n3A_215 : i32 to vector<2000x16xi32>
    %rem3A_217 = arith.remsi %iota3A_130, %rem3A_216 : vector<2000x16xi32>
    %ne3A_218 = arith.constant 0 : i32
    %ne3A_219 = vector.broadcast %ne3A_218 : i32 to vector<2000x16xi32>
    %ne3A_220 = arith.cmpi ne, %rem3A_217, %ne3A_219 : vector<2000x16xi32>
    %lt3A_221 = arith.constant 0 : i32
    %lt3A_222 = vector.broadcast %lt3A_221 : i32 to vector<2000x16xi32>
    %lt3A_223 = arith.cmpi slt, %rem3A_217, %lt3A_222 : vector<2000x16xi32>
    %lt3A_224 = arith.constant 0 : i32
    %lt3A_225 = arith.cmpi slt, %select_n3A_215, %lt3A_224 : i32
    %ne3A_226 = vector.broadcast %lt3A_225 : i1 to vector<2000x16xi1>
    %ne3A_227 = vector.broadcast %ne3A_226 : vector<2000x16xi1> to vector<2000x16xi1>
    %ne3A_228 = arith.xori %lt3A_223, %ne3A_227 : vector<2000x16xi1>
    %and3A_229 = arith.andi %ne3A_228, %ne3A_220 : vector<2000x16xi1>
    %add3A_230 = vector.broadcast %select_n3A_215 : i32 to vector<2000x16xi32>
    %add3A_231 = arith.addi %rem3A_217, %add3A_230 : vector<2000x16xi32>
    %select_n3A_232 = arith.select %and3A_229, %add3A_231, %rem3A_217 : vector<2000x16xi1>, vector<2000x16xi32>
    %eq3A_233 = arith.constant 2 : i32
    %eq3A_234 = vector.broadcast %eq3A_233 : i32 to vector<2000x16xi32>
    %eq3A_235 = arith.cmpi eq, %select_n3A_232, %eq3A_234 : vector<2000x16xi32>
    %select_n3A_236 = arith.select %eq3A_235, %dot_general3A_210, %select_n3A_202 : vector<2000x16xi1>, vector<2000x16xf32>
    %add3A_237 = arith.constant 48 : i32
    %add3A_238 = vector.broadcast %add3A_237 : i32 to vector<128x16xi32>
    %add3A_239 = arith.addi %add3A_238, %iota3A_134 : vector<128x16xi32>
    %eq3A_240 = arith.cmpi eq, %iota3A_133, %add3A_239 : vector<128x16xi32>
    %convert_element_type3A_241 = arith.extui %eq3A_240 : vector<128x16xi1> to vector<128x16xi32>
    %convert_element_type3A_242 = arith.sitofp %convert_element_type3A_241 : vector<128x16xi32> to vector<128x16xf32>
    %dot_general3A_243 = arith.constant dense<0.000000e+00> : vector<2000x16xf32>
    %dot_general3A_244 = tpu.matmul %dot_general3A_129, %convert_element_type3A_242, %dot_general3A_243 {dimension_numbers = #tpu.dot_dimension_numbers<[1], [0], [0], [1], [0, 0, 1, 1], [], []>, transpose_lhs_hint = false} : vector<2000x128xf32>, vector<128x16xf32>, vector<2000x16xf32> -> vector<2000x16xf32>
    %jit3A_245 = arith.constant 8 : i32
    %eq3A_246 = arith.constant 0 : i32
    %eq3A_247 = arith.cmpi eq, %jit3A_245, %eq3A_246 : i32
    %jit3A_248 = arith.constant 1 : i32
    %select_n3A_249 = arith.select %eq3A_247, %jit3A_248, %jit3A_245 : i32
    %rem3A_250 = vector.broadcast %select_n3A_249 : i32 to vector<2000x16xi32>
    %rem3A_251 = arith.remsi %iota3A_130, %rem3A_250 : vector<2000x16xi32>
    %ne3A_252 = arith.constant 0 : i32
    %ne3A_253 = vector.broadcast %ne3A_252 : i32 to vector<2000x16xi32>
    %ne3A_254 = arith.cmpi ne, %rem3A_251, %ne3A_253 : vector<2000x16xi32>
    %lt3A_255 = arith.constant 0 : i32
    %lt3A_256 = vector.broadcast %lt3A_255 : i32 to vector<2000x16xi32>
    %lt3A_257 = arith.cmpi slt, %rem3A_251, %lt3A_256 : vector<2000x16xi32>
    %lt3A_258 = arith.constant 0 : i32
    %lt3A_259 = arith.cmpi slt, %select_n3A_249, %lt3A_258 : i32
    %ne3A_260 = vector.broadcast %lt3A_259 : i1 to vector<2000x16xi1>
    %ne3A_261 = vector.broadcast %ne3A_260 : vector<2000x16xi1> to vector<2000x16xi1>
    %ne3A_262 = arith.xori %lt3A_257, %ne3A_261 : vector<2000x16xi1>
    %and3A_263 = arith.andi %ne3A_262, %ne3A_254 : vector<2000x16xi1>
    %add3A_264 = vector.broadcast %select_n3A_249 : i32 to vector<2000x16xi32>
    %add3A_265 = arith.addi %rem3A_251, %add3A_264 : vector<2000x16xi32>
    %select_n3A_266 = arith.select %and3A_263, %add3A_265, %rem3A_251 : vector<2000x16xi1>, vector<2000x16xi32>
    %eq3A_267 = arith.constant 3 : i32
    %eq3A_268 = vector.broadcast %eq3A_267 : i32 to vector<2000x16xi32>
    %eq3A_269 = arith.cmpi eq, %select_n3A_266, %eq3A_268 : vector<2000x16xi32>
    %select_n3A_270 = arith.select %eq3A_269, %dot_general3A_244, %select_n3A_236 : vector<2000x16xi1>, vector<2000x16xf32>
    %add3A_271 = arith.constant 64 : i32
    %add3A_272 = vector.broadcast %add3A_271 : i32 to vector<128x16xi32>
    %add3A_273 = arith.addi %add3A_272, %iota3A_134 : vector<128x16xi32>
    %eq3A_274 = arith.cmpi eq, %iota3A_133, %add3A_273 : vector<128x16xi32>
    %convert_element_type3A_275 = arith.extui %eq3A_274 : vector<128x16xi1> to vector<128x16xi32>
    %convert_element_type3A_276 = arith.sitofp %convert_element_type3A_275 : vector<128x16xi32> to vector<128x16xf32>
    %dot_general3A_277 = arith.constant dense<0.000000e+00> : vector<2000x16xf32>
    %dot_general3A_278 = tpu.matmul %dot_general3A_129, %convert_element_type3A_276, %dot_general3A_277 {dimension_numbers = #tpu.dot_dimension_numbers<[1], [0], [0], [1], [0, 0, 1, 1], [], []>, transpose_lhs_hint = false} : vector<2000x128xf32>, vector<128x16xf32>, vector<2000x16xf32> -> vector<2000x16xf32>
    %jit3A_279 = arith.constant 8 : i32
    %eq3A_280 = arith.constant 0 : i32
    %eq3A_281 = arith.cmpi eq, %jit3A_279, %eq3A_280 : i32
    %jit3A_282 = arith.constant 1 : i32
    %select_n3A_283 = arith.select %eq3A_281, %jit3A_282, %jit3A_279 : i32
    %rem3A_284 = vector.broadcast %select_n3A_283 : i32 to vector<2000x16xi32>
    %rem3A_285 = arith.remsi %iota3A_130, %rem3A_284 : vector<2000x16xi32>
    %ne3A_286 = arith.constant 0 : i32
    %ne3A_287 = vector.broadcast %ne3A_286 : i32 to vector<2000x16xi32>
    %ne3A_288 = arith.cmpi ne, %rem3A_285, %ne3A_287 : vector<2000x16xi32>
    %lt3A_289 = arith.constant 0 : i32
    %lt3A_290 = vector.broadcast %lt3A_289 : i32 to vector<2000x16xi32>
    %lt3A_291 = arith.cmpi slt, %rem3A_285, %lt3A_290 : vector<2000x16xi32>
    %lt3A_292 = arith.constant 0 : i32
    %lt3A_293 = arith.cmpi slt, %select_n3A_283, %lt3A_292 : i32
    %ne3A_294 = vector.broadcast %lt3A_293 : i1 to vector<2000x16xi1>
    %ne3A_295 = vector.broadcast %ne3A_294 : vector<2000x16xi1> to vector<2000x16xi1>
    %ne3A_296 = arith.xori %lt3A_291, %ne3A_295 : vector<2000x16xi1>
    %and3A_297 = arith.andi %ne3A_296, %ne3A_288 : vector<2000x16xi1>
    %add3A_298 = vector.broadcast %select_n3A_283 : i32 to vector<2000x16xi32>
    %add3A_299 = arith.addi %rem3A_285, %add3A_298 : vector<2000x16xi32>
    %select_n3A_300 = arith.select %and3A_297, %add3A_299, %rem3A_285 : vector<2000x16xi1>, vector<2000x16xi32>
    %eq3A_301 = arith.constant 4 : i32
    %eq3A_302 = vector.broadcast %eq3A_301 : i32 to vector<2000x16xi32>
    %eq3A_303 = arith.cmpi eq, %select_n3A_300, %eq3A_302 : vector<2000x16xi32>
    %select_n3A_304 = arith.select %eq3A_303, %dot_general3A_278, %select_n3A_270 : vector<2000x16xi1>, vector<2000x16xf32>
    %add3A_305 = arith.constant 80 : i32
    %add3A_306 = vector.broadcast %add3A_305 : i32 to vector<128x16xi32>
    %add3A_307 = arith.addi %add3A_306, %iota3A_134 : vector<128x16xi32>
    %eq3A_308 = arith.cmpi eq, %iota3A_133, %add3A_307 : vector<128x16xi32>
    %convert_element_type3A_309 = arith.extui %eq3A_308 : vector<128x16xi1> to vector<128x16xi32>
    %convert_element_type3A_310 = arith.sitofp %convert_element_type3A_309 : vector<128x16xi32> to vector<128x16xf32>
    %dot_general3A_311 = arith.constant dense<0.000000e+00> : vector<2000x16xf32>
    %dot_general3A_312 = tpu.matmul %dot_general3A_129, %convert_element_type3A_310, %dot_general3A_311 {dimension_numbers = #tpu.dot_dimension_numbers<[1], [0], [0], [1], [0, 0, 1, 1], [], []>, transpose_lhs_hint = false} : vector<2000x128xf32>, vector<128x16xf32>, vector<2000x16xf32> -> vector<2000x16xf32>
    %jit3A_313 = arith.constant 8 : i32
    %eq3A_314 = arith.constant 0 : i32
    %eq3A_315 = arith.cmpi eq, %jit3A_313, %eq3A_314 : i32
    %jit3A_316 = arith.constant 1 : i32
    %select_n3A_317 = arith.select %eq3A_315, %jit3A_316, %jit3A_313 : i32
    %rem3A_318 = vector.broadcast %select_n3A_317 : i32 to vector<2000x16xi32>
    %rem3A_319 = arith.remsi %iota3A_130, %rem3A_318 : vector<2000x16xi32>
    %ne3A_320 = arith.constant 0 : i32
    %ne3A_321 = vector.broadcast %ne3A_320 : i32 to vector<2000x16xi32>
    %ne3A_322 = arith.cmpi ne, %rem3A_319, %ne3A_321 : vector<2000x16xi32>
    %lt3A_323 = arith.constant 0 : i32
    %lt3A_324 = vector.broadcast %lt3A_323 : i32 to vector<2000x16xi32>
    %lt3A_325 = arith.cmpi slt, %rem3A_319, %lt3A_324 : vector<2000x16xi32>
    %lt3A_326 = arith.constant 0 : i32
    %lt3A_327 = arith.cmpi slt, %select_n3A_317, %lt3A_326 : i32
    %ne3A_328 = vector.broadcast %lt3A_327 : i1 to vector<2000x16xi1>
    %ne3A_329 = vector.broadcast %ne3A_328 : vector<2000x16xi1> to vector<2000x16xi1>
    %ne3A_330 = arith.xori %lt3A_325, %ne3A_329 : vector<2000x16xi1>
    %and3A_331 = arith.andi %ne3A_330, %ne3A_322 : vector<2000x16xi1>
    %add3A_332 = vector.broadcast %select_n3A_317 : i32 to vector<2000x16xi32>
    %add3A_333 = arith.addi %rem3A_319, %add3A_332 : vector<2000x16xi32>
    %select_n3A_334 = arith.select %and3A_331, %add3A_333, %rem3A_319 : vector<2000x16xi1>, vector<2000x16xi32>
    %eq3A_335 = arith.constant 5 : i32
    %eq3A_336 = vector.broadcast %eq3A_335 : i32 to vector<2000x16xi32>
    %eq3A_337 = arith.cmpi eq, %select_n3A_334, %eq3A_336 : vector<2000x16xi32>
    %select_n3A_338 = arith.select %eq3A_337, %dot_general3A_312, %select_n3A_304 : vector<2000x16xi1>, vector<2000x16xf32>
    %add3A_339 = arith.constant 96 : i32
    %add3A_340 = vector.broadcast %add3A_339 : i32 to vector<128x16xi32>
    %add3A_341 = arith.addi %add3A_340, %iota3A_134 : vector<128x16xi32>
    %eq3A_342 = arith.cmpi eq, %iota3A_133, %add3A_341 : vector<128x16xi32>
    %convert_element_type3A_343 = arith.extui %eq3A_342 : vector<128x16xi1> to vector<128x16xi32>
    %convert_element_type3A_344 = arith.sitofp %convert_element_type3A_343 : vector<128x16xi32> to vector<128x16xf32>
    %dot_general3A_345 = arith.constant dense<0.000000e+00> : vector<2000x16xf32>
    %dot_general3A_346 = tpu.matmul %dot_general3A_129, %convert_element_type3A_344, %dot_general3A_345 {dimension_numbers = #tpu.dot_dimension_numbers<[1], [0], [0], [1], [0, 0, 1, 1], [], []>, transpose_lhs_hint = false} : vector<2000x128xf32>, vector<128x16xf32>, vector<2000x16xf32> -> vector<2000x16xf32>
    %jit3A_347 = arith.constant 8 : i32
    %eq3A_348 = arith.constant 0 : i32
    %eq3A_349 = arith.cmpi eq, %jit3A_347, %eq3A_348 : i32
    %jit3A_350 = arith.constant 1 : i32
    %select_n3A_351 = arith.select %eq3A_349, %jit3A_350, %jit3A_347 : i32
    %rem3A_352 = vector.broadcast %select_n3A_351 : i32 to vector<2000x16xi32>
    %rem3A_353 = arith.remsi %iota3A_130, %rem3A_352 : vector<2000x16xi32>
    %ne3A_354 = arith.constant 0 : i32
    %ne3A_355 = vector.broadcast %ne3A_354 : i32 to vector<2000x16xi32>
    %ne3A_356 = arith.cmpi ne, %rem3A_353, %ne3A_355 : vector<2000x16xi32>
    %lt3A_357 = arith.constant 0 : i32
    %lt3A_358 = vector.broadcast %lt3A_357 : i32 to vector<2000x16xi32>
    %lt3A_359 = arith.cmpi slt, %rem3A_353, %lt3A_358 : vector<2000x16xi32>
    %lt3A_360 = arith.constant 0 : i32
    %lt3A_361 = arith.cmpi slt, %select_n3A_351, %lt3A_360 : i32
    %ne3A_362 = vector.broadcast %lt3A_361 : i1 to vector<2000x16xi1>
    %ne3A_363 = vector.broadcast %ne3A_362 : vector<2000x16xi1> to vector<2000x16xi1>
    %ne3A_364 = arith.xori %lt3A_359, %ne3A_363 : vector<2000x16xi1>
    %and3A_365 = arith.andi %ne3A_364, %ne3A_356 : vector<2000x16xi1>
    %add3A_366 = vector.broadcast %select_n3A_351 : i32 to vector<2000x16xi32>
    %add3A_367 = arith.addi %rem3A_353, %add3A_366 : vector<2000x16xi32>
    %select_n3A_368 = arith.select %and3A_365, %add3A_367, %rem3A_353 : vector<2000x16xi1>, vector<2000x16xi32>
    %eq3A_369 = arith.constant 6 : i32
    %eq3A_370 = vector.broadcast %eq3A_369 : i32 to vector<2000x16xi32>
    %eq3A_371 = arith.cmpi eq, %select_n3A_368, %eq3A_370 : vector<2000x16xi32>
    %select_n3A_372 = arith.select %eq3A_371, %dot_general3A_346, %select_n3A_338 : vector<2000x16xi1>, vector<2000x16xf32>
    %add3A_373 = arith.constant 112 : i32
    %add3A_374 = vector.broadcast %add3A_373 : i32 to vector<128x16xi32>
    %add3A_375 = arith.addi %add3A_374, %iota3A_134 : vector<128x16xi32>
    %eq3A_376 = arith.cmpi eq, %iota3A_133, %add3A_375 : vector<128x16xi32>
    %convert_element_type3A_377 = arith.extui %eq3A_376 : vector<128x16xi1> to vector<128x16xi32>
    %convert_element_type3A_378 = arith.sitofp %convert_element_type3A_377 : vector<128x16xi32> to vector<128x16xf32>
    %dot_general3A_379 = arith.constant dense<0.000000e+00> : vector<2000x16xf32>
    %dot_general3A_380 = tpu.matmul %dot_general3A_129, %convert_element_type3A_378, %dot_general3A_379 {dimension_numbers = #tpu.dot_dimension_numbers<[1], [0], [0], [1], [0, 0, 1, 1], [], []>, transpose_lhs_hint = false} : vector<2000x128xf32>, vector<128x16xf32>, vector<2000x16xf32> -> vector<2000x16xf32>
    %jit3A_381 = arith.constant 8 : i32
    %eq3A_382 = arith.constant 0 : i32
    %eq3A_383 = arith.cmpi eq, %jit3A_381, %eq3A_382 : i32
    %jit3A_384 = arith.constant 1 : i32
    %select_n3A_385 = arith.select %eq3A_383, %jit3A_384, %jit3A_381 : i32
    %rem3A_386 = vector.broadcast %select_n3A_385 : i32 to vector<2000x16xi32>
    %rem3A_387 = arith.remsi %iota3A_130, %rem3A_386 : vector<2000x16xi32>
    %ne3A_388 = arith.constant 0 : i32
    %ne3A_389 = vector.broadcast %ne3A_388 : i32 to vector<2000x16xi32>
    %ne3A_390 = arith.cmpi ne, %rem3A_387, %ne3A_389 : vector<2000x16xi32>
    %lt3A_391 = arith.constant 0 : i32
    %lt3A_392 = vector.broadcast %lt3A_391 : i32 to vector<2000x16xi32>
    %lt3A_393 = arith.cmpi slt, %rem3A_387, %lt3A_392 : vector<2000x16xi32>
    %lt3A_394 = arith.constant 0 : i32
    %lt3A_395 = arith.cmpi slt, %select_n3A_385, %lt3A_394 : i32
    %ne3A_396 = vector.broadcast %lt3A_395 : i1 to vector<2000x16xi1>
    %ne3A_397 = vector.broadcast %ne3A_396 : vector<2000x16xi1> to vector<2000x16xi1>
    %ne3A_398 = arith.xori %lt3A_393, %ne3A_397 : vector<2000x16xi1>
    %and3A_399 = arith.andi %ne3A_398, %ne3A_390 : vector<2000x16xi1>
    %add3A_400 = vector.broadcast %select_n3A_385 : i32 to vector<2000x16xi32>
    %add3A_401 = arith.addi %rem3A_387, %add3A_400 : vector<2000x16xi32>
    %select_n3A_402 = arith.select %and3A_399, %add3A_401, %rem3A_387 : vector<2000x16xi1>, vector<2000x16xi32>
    %eq3A_403 = arith.constant 7 : i32
    %eq3A_404 = vector.broadcast %eq3A_403 : i32 to vector<2000x16xi32>
    %eq3A_405 = arith.cmpi eq, %select_n3A_402, %eq3A_404 : vector<2000x16xi32>
    %select_n3A_406 = arith.select %eq3A_405, %dot_general3A_380, %select_n3A_372 : vector<2000x16xi1>, vector<2000x16xf32>
    %get3A_407 = arith.constant 0 : index
    %get3A_408 = arith.constant 0 : index
    %get3A_409 = vector.load %arg1[%get3A_407, %get3A_408] : memref<1x10xf32, #tpu.memory_space<vmem>>, vector<1x10xf32>
    %broadcast_in_dim3A_410 = arith.constant 0.000000e+00 : f32
    %broadcast_in_dim3A_411 = vector.broadcast %broadcast_in_dim3A_410 : f32 to vector<1x6xf32>
    %concatenate3A = tpu.concatenate %get3A_409, %broadcast_in_dim3A_411 in 1 : vector<1x10xf32>, vector<1x6xf32> -> vector<1x16xf32>
    %add3A_412 = vector.broadcast %concatenate3A : vector<1x16xf32> to vector<2000x16xf32>
    %add3A_413 = arith.addf %select_n3A_406, %add3A_412 : vector<2000x16xf32>
    %slice3A = vector.extract_strided_slice %add3A_413 {offsets = [0, 0], sizes = [2000, 10], strides = [1, 1]} : vector<2000x16xf32> to vector<2000x10xf32>
    %swap3A = arith.constant 0 : index
    %swap3A_414 = arith.constant 0 : index
    %swap3A_415 = vector.load %arg2[%swap3A, %swap3A_414] : memref<2000x10xf32, #tpu.memory_space<vmem>>, vector<2000x10xf32>
    tpu.vector_store %arg2[%swap3A, %swap3A_414], %slice3A {strides = array<i32>} : memref<2000x10xf32, #tpu.memory_space<vmem>>, vector<2000x10xf32>,
    return
  }
}

</mosaic_0001>

<sc_bundles>
// kernel: kernel.5.cloned.1.call-start
scs
__scs_entry_jumppad:
0x0: {  	(pc) =	sbr.rel $0x88, $3  }
0x1: {  	(tag) =	ssettag $0x0;
	lr =	simm.s32 $0x1  }
0x2: {  	[smem:$0x3F9A] =	sst lr;
	_ =	strace $0xD0000000  }
0x3: {  	_ = 	snop  }
0x4: {  	_ = 	snop  }
0x5: {  	_ = 	snop  }
0x6: {  	_ = 	snop  }
0x7: {  	_ = 	snop  }
__scs_overlays_trampoline_lowered:
0x8: {  	[smem:$0x3FA9] =	sst s0  }
0x9: {  	[smem:$0x3FAA] =	sst s1  }
0xa: {  	[smem:$0x3FAB] =	sst s2  }
0xb: {  	[smem:$0x3FAC] =	sst s3  }
0xc: {  	[smem:$0x3FAD] =	sst s4  }
0xd: {  	[smem:$0x3FAE] =	sst s5  }
0xe: {  	[smem:$0x3FAF] =	sst s6  }
0xf: {  	[smem:$0x3FB0] =	sst s7  }
0x10: {  	[smem:$0x3FB1] =	sst s8  }
0x11: {  	[smem:$0x3FB2] =	sst s9;
	s0 =	simm.s32 @!p0 $0x0  }
0x12: {  	s1 =	sld [smem:$0x3F98];
	s0 =	simm.s32 @p0 $0x1  }
0x13: {  	[smem:$0x3FB3] =	sst s0;
	s0 =	simm.s32 @!p1 $0x0  }
0x14: {  	s2 =	sld [smem:$0x3F97];
	s0 =	simm.s32 @p1 $0x1  }
0x15: {  	[smem:$0x3FB4] =	sst s0;
	s0 =	simm.s32 @!p2 $0x0  }
0x16: {  	s3 =	sld [smem:$0x3FDB];
	s0 =	simm.s32 @p2 $0x1  }
0x17: {  	s4 =	simm.s32 $0x1BF5;
	[smem:$0x3FB6] =	sst s0  }
0x18: {  	s0 =	sld [smem:$0x3F99];
	_ =	swait.ge [sflag:s4], $0x0  }
0x19: {  	s7 =	sld [smem:$0x3F9A]  }
0x1a: {  	s8 =	sadd.s32 $0xFFFFE003, lr  }
0x1b: {  	s9 =	sadd.s32 $0xFFFFFEF7, lr;
	s5 =	simm.s32 $0xFFFFFFFF;
	p2 =	slt.u32 s8, $0xFFFFF086  }
0x1c: {  	p1 =	slt.u32 s9, $0xF7A;
	s5 =	simm.s32 @!p2 $0x0  }
0x1d: {  	s5 =	simm.s32 @p1 $0x1;
	p0 =	seq.s32 s7, s2  }
0x1e: {  	s7 =	smul.u32 @!p0 $0xF7A, s2;
	p2 =	seq.s32 @!p0 s5, $0x0  }
0x1f: {  	s9 =	smul.u32 $0xF7A, s1;
	s8 =	simm.s32 @!p0 $0x1BF5;
	p2 =	por !p2, p0  }
0x20: {  	[sflag:s8] =	ssyncset.s32 @!p0 $0xFFFFF086;
	s6 =	sadd.s32 @!p0 s3, s7;
	s7 =	simm.s32 @!p0 $0x108  }
0x21: {  	s3 =	sadd.s32 s3, s9;
	s6 =	sadd.s32 @!p0 $0x88, s6;
	s7 =	simm.s32 @p2 $0x1082  }
0x22: {  	[simem:s7], [sflag:s8] =	dma.local @!p0 [hbm:s6], $0xF7A  }
0x23: {  	s9 =	sor.u32 $0xD0000000, s2;
	s6 =	simm.s32 $0x108;
	_ =	swait.ge @!p0 [sflag:s8], $0x0  }
0x24: {  	s3 =	sadd.s32 $0x88, s3;
	s6 =	simm.s32 @!p1 $0x1082;
	[sflag:s4] =	ssyncset.s32 $0xFFFFF086  }
0x25: {  	[simem:s6], [sflag:s4] =	dma.local [hbm:s3], $0xF7A  }
0x26: {  	[smem:$0x3F9A] =	sst s1;
	(tag) =	ssettag s2;
	_ =	strace s9  }
0x27: {  	s1 =	sld [smem:$0x3FAA]  }
0x28: {  	s2 =	sld [smem:$0x3FAB]  }
0x29: {  	s4 =	sld [smem:$0x3FAD]  }
0x2a: {  	p0 =	seq.s32 s5, $0x0;
	s5 =	sld [smem:$0x3FAE]  }
0x2b: {  	s6 =	sld [smem:$0x3FAF]  }
0x2c: {  	s7 =	sld [smem:$0x3FB0]  }
0x2d: {  	s3 =	simm.s32 $0x108;
	s8 =	sld [smem:$0x3FB1]  }
0x2e: {  	s3 =	simm.s32 @!p0 $0x1082;
	s9 =	sld [smem:$0x3FB2]  }
0x2f: {  	lr =	sadd.s32 s0, s3;
	s0 =	sld [smem:$0x3FA9]  }
0x30: {  	s3 =	sld [smem:$0x3FAC]  }
0x31: {  	[smem:$0x3FB5] =	sst s10  }
0x32: {  	s10 =	sld [smem:$0x3FB3];
	_ =	sdelay $0x3  }
0x33: {  	p0 =	seq.s32 s10, $0x1;
	s10 =	sld [smem:$0x3FB5];
	_ =	sdelay $0x3  }
0x34: {  	[smem:$0x3FB5] =	sst s10  }
0x35: {  	s10 =	sld [smem:$0x3FB4];
	_ =	sdelay $0x3  }
0x36: {  	p1 =	seq.s32 s10, $0x1;
	s10 =	sld [smem:$0x3FB5];
	_ =	sdelay $0x3  }
0x37: {  	[smem:$0x3FB5] =	sst s10  }
0x38: {  	s10 =	sld [smem:$0x3FB6]  }
0x39: {  	_ = 	snop;
	(pc) =	sbr.ind lr, $3  }
0x3a: {  	_ = 	snop  }
0x3b: {  	_ = 	snop  }
0x3c: {  	p2 =	seq.s32 s10, $0x1;
	s10 =	sld [smem:$0x3FB5]  }
0x3d: {  	_ =	shalt  }
0x3e: {  	_ =	shalt  }
0x3f: {  	_ =	shalt  }
0x40: {  	_ =	shalt  }
0x41: {  	_ =	shalt  }
0x42: {  	_ =	shalt  }
0x43: {  	_ =	shalt  }
0x44: {  	_ =	shalt  }
0x45: {  	_ =	shalt  }
0x46: {  	_ =	shalt  }
0x47: {  	_ =	shalt  }
0x48: {  	_ =	shalt  }
0x49: {  	_ =	shalt  }
0x4a: {  	_ =	shalt  }
0x4b: {  	_ =	shalt  }
0x4c: {  	_ =	shalt  }
0x4d: {  	_ =	shalt  }
0x4e: {  	_ =	shalt  }
0x4f: {  	_ =	shalt  }
0x50: {  	_ =	shalt  }
0x51: {  	_ =	shalt  }
0x52: {  	_ =	shalt  }
0x53: {  	_ =	shalt  }
0x54: {  	_ =	shalt  }
0x55: {  	_ =	shalt  }
0x56: {  	_ =	shalt  }
0x57: {  	_ =	shalt  }
0x58: {  	_ =	shalt  }
0x59: {  	_ =	shalt  }
0x5a: {  	_ =	shalt  }
0x5b: {  	_ =	shalt  }
0x5c: {  	_ =	shalt  }
0x5d: {  	_ =	shalt  }
0x5e: {  	_ =	shalt  }
0x5f: {  	_ =	shalt  }
0x60: {  	_ =	shalt  }
0x61: {  	_ =	shalt  }
0x62: {  	_ =	shalt  }
0x63: {  	_ =	shalt  }
0x64: {  	_ =	shalt  }
0x65: {  	_ =	shalt  }
0x66: {  	_ =	shalt  }
0x67: {  	_ =	shalt  }
0x68: {  	_ =	shalt  }
0x69: {  	_ =	shalt  }
0x6a: {  	_ =	shalt  }
0x6b: {  	_ =	shalt  }
0x6c: {  	_ =	shalt  }
0x6d: {  	_ =	shalt  }
0x6e: {  	_ =	shalt  }
0x6f: {  	_ =	shalt  }
0x70: {  	_ =	shalt  }
0x71: {  	_ =	shalt  }
0x72: {  	_ =	shalt  }
0x73: {  	_ =	shalt  }
0x74: {  	_ =	shalt  }
0x75: {  	_ =	shalt  }
0x76: {  	_ =	shalt  }
0x77: {  	_ =	shalt  }
0x78: {  	_ =	shalt  }
0x79: {  	_ =	shalt  }
0x7a: {  	_ =	shalt  }
0x7b: {  	_ =	shalt  }
0x7c: {  	_ =	shalt  }
0x7d: {  	_ =	shalt  }
0x7e: {  	_ =	shalt  }
0x7f: {  	_ =	shalt  }
0x80: {  	_ =	shalt  }
0x81: {  	_ =	shalt  }
0x82: {  	_ =	shalt  }
0x83: {  	_ =	shalt  }
0x84: {  	_ =	shalt  }
0x85: {  	_ =	shalt  }
0x86: {  	_ =	shalt  }
0x87: {  	_ =	shalt  }
.Lfunc_end0:
.L_simem_size_0:
called_computation_lowered:
.L_overlay_start_0:
0x88: {  	s2 =	sld [smem:$0x3FD9]  }
0x89: {  	s3 =	sld [smem:$0x3FFE];
	_ =	sdelay $0x1  }
0x8a: {  	s1 =	srdreg.scid  }
0x8b: {  	s0 =	sand.u32 $0x1, s1  }
0x8c: {  	s14 =	sshll.u32 s0, $0xA;
	s2 =	sadd.s32 s3, s2  }
0x8d: {  	s2 =	sadd.s32 s2, s14  }
0x8e: {  	[smem:$0x3FC1] =	sst s2  }
0x8f: {  	_ = 	snop  }
0x90: {  	s2 =	sld [smem:$0x3FD0];
	_ =	sdelay $0x2  }
0x91: {  	s15 =	simm.s32 $0xA;
	s4 =	simm.s32 $0x10  }
0x92: {  	[smem:s4], [sflag:s15] =	dma.local [hbm:s2], $0x1  }
0x93: {  	_ =	swait.eq [sflag:s15], $0x1  }
0x94: {  	[sflag:s15] =	ssyncset.done $0x0  }
0x95: {  	[sflag:s15] =	ssyncadd.s32 $0xFFFFFFFF  }
0x96: {  	s16 =	sld [smem:$0x11];
	(tm) =	ssettm $0x1  }
0x97: {  	s17 =	sld [smem:$0x3FFB];
	_ =	sdelay $0x3  }
0x98: {  	_ =	strace s17  }
0x99: {  	s3 =	sld [smem:$0x3FFC];
	_ =	sdelay $0x3  }
0x9a: {  	_ =	strace s3  }
0x9b: {  	s3 =	sld [smem:$0x3FFD];
	_ =	sdelay $0x3  }
0x9c: {  	_ =	strace s3  }
0x9d: {  	_ =	strace $0x8FFFFFFF  }
0x9e: {  	s18 =	sld [smem:$0x3FDB];
	_ =	sdelay $0x1  }
0x9f: {  	s19 =	simm.s32 $_scs_section_size  }
0xa0: {  	s5 =	simm.s32 $_size__tile_overlayer_lowered;
	s6 =	simm.s32 $_tile_overlayer_lowered  }
0xa1: {  	s22 =	simm.s32 $0x1BFF;
	s21 =	sshll.u32 s6, $0x1;
	s3 =	sadd.s32 s19, s18  }
0xa2: {  	s7 =	simm.s32 $0x0;
	s20 =	sshll.u32 s5, $0x1;
	s5 =	sadd.s32 s21, s3  }
0xa3: {  	[timem:s7], [sflag:s22] =	dma.local [hbm:s5], s20  }
0xa4: {  	_ =	swait.ge [sflag:s22], s20  }
0xa5: {  	s4 =	ssub.s32 $0x0, s20;
	[sflag:s22] =	ssyncset.done $0x0  }
0xa6: {  	[sflag:s22] =	ssyncadd.s32 s4;
	_ =	sdelay $0x1  }
0xa7: {  	s23 =	simm.s32 $0x1B8B  }
0xa8: {  	_ =	swait.ge [sflag:s23], $0x1  }
0xa9: {  	[sflag:s23] =	ssyncset.done $0x0  }
0xaa: {  	s25 =	simm.s32 $0x1B8E;
	s24 =	sld [smem:$0x3FFE];
	[sflag:s23] =	ssyncadd.s32 $0xFFFFFFFF  }
0xab: {  	s26 =	simm.s32 $execute0_lowered;
	[smem:$0x3FD2] =	sst s25  }
0xac: {  	s5 =	sshll.u32 s26, $0x1;
	_ =	strace $0x80000046;
	[dreg:$0x1] =	wrdreg $0xFFFFFFFF  }
0xad: {  	s28 =	simm.s32 $_size_execute0_lowered;
	s3 =	sadd.s32 s3, s5;
	[dreg:$0x0] =	wrdreg $0x0  }
0xae: {  	s5 =	sshll.u32 s28, $0x1;
	[dreg:$0x2] =	wrdreg s3  }
0xaf: {  	[dreg:$0x3] =	wrdreg s5  }
0xb0: {  	[dreg:$0x4] =	wrdreg $0xC0  }
0xb1: {  	_ =	task [dreg:s7], $0x5FFFF  }
0xb2: {  	[dreg:$0x1] =	wrdreg $0xFFFFFFFF  }
0xb3: {  	[dreg:$0x0] =	wrdreg $0x60  }
0xb4: {  	[dreg:$0x2] =	wrdreg s24  }
0xb5: {  	[dreg:$0x3] =	wrdreg s16  }
0xb6: {  	[dreg:$0x4] =	wrdreg $0x6E800  }
0xb7: {  	[dreg:$0x5] =	wrdreg $0x9  }
0xb8: {  	_ =	task.clear_ibuf [dreg:s7], $0x6FFFF;
	_ =	strace $0x90000046  }
0xb9: {  	s29 =	simm.s32 $0x9;
	_ =	strace $0x80000048  }
0xba: {  	_ =	swait.ge [sflag:s29], $0x1  }
0xbb: {  	[sflag:s29] =	ssyncadd.s32 $0xFFFFFFFF  }
0xbc: {  	_ =	strace $0x90000048  }
0xbd: {  	_ =	sfence  }
0xbe: {  	s30 =	sld [smem:$0x0];
	_ =	sdelay $0x2  }
0xbf: {  	s31 =	sshll.u32 s1, $0xD;
	s1 =	sshrl.u32 s1, $0x2  }
0xc0: {  	s3 =	sand.u32 $0x4000, s31;
	s1 =	sadd.s32 s1, s30  }
0xc1: {  	s0 =	sor.u32 s3, s0;
	s1 =	sshll.u32 s1, $0x11  }
0xc2: {  	s0 =	sor.u32 s1, s0  }
0xc3: {  	s0 =	sadd.s32 $0x8F2B, s0  }
0xc4: {  	[sflag:s0] =	ssyncadd.remote.s32 $0x1  }
0xc5: {  	_ =	sfence.sel $0xFFFF  }
0xc6: {  	[dreg:$0x0] =	wrdreg $0xFFFFFFFF;
	(pc) =	sbr.abs _section_cstart, $3  }
0xc7: {  	[dreg:$0x1] =	wrdreg $0xFFFFFFFF  }
0xc8: {  	_ =	task.clear_ibuf [dreg:s7], $0x2FFFF;
	_ =	strace $0x9FFFFFFF  }
0xc9: {  	(tm) =	ssettm $0x7FFFFFFF  }
tec
execute0_lowered:
.L_overlay_start_1:
0x0: {  	(tag) =	ssettag $0x1  }
0x1: {  	s4 =	rddreg [dreg:$0x0]  }
0x2: {  	s0 =	srdreg.scid;
	s1 =	rddreg [dreg:$0x1]  }
0x3: {  	s2 =	stileid.u32;
	s21 =	rddreg [dreg:$0x3]  }
0x4: {  	s3 =	simm.s32 $0x0;
	s26 =	simm.s32 $0x10;
	s9 =	simm.s32 $0x6A80  }
0x5: {  	s30 =	simm.s32 $0x800;
	s5 =	sand.u32 $0x1, s0;
	s10 =	sshll.u32 s2, $0x1  }
0x6: {  	s31 =	simm.s32 $0x1000;
	[dreg:$0x4] =	wrdreg s1;
	s0 =	sor.u32 s5, s10  }
0x7: {  	p1 =	por $0x0, $0x0;
	s1 =	rddreg [dreg:$0x2];
	s6 =	smul.u32 $0x6800, s0  }
0x8: {  	s28 =	simm.s32 $0x6000;
	[smem:$0x7FF] =	sst s3;
	s7 =	smul.u32 $0x680, s0  }
0x9: {  	p0 =	sne.s32 s2, $0x0;
	_ =	strace $0x80000047;
	[dreg:$0x14] =	wrdreg s26  }
0xa: {  	[dreg:$0x15] =	wrdreg s30;
	s6 =	sadd.s32 s6, s4;
	s7 =	sshrl.u32 s7, $0x3  }
0xb: {  	[dreg:$0x16] =	wrdreg s31;
	s7 =	sadd.s32 s7, s4;
	s6 =	sadd.s32 $0x2400, s6  }
0xc: {  	s8 =	smul.u32 $0xFA0, s5;
	[dreg:$0x5] =	wrdreg s6;
	s11 =	sadd.s32 $0xA00, s7  }
0xd: {  	s5 =	ssub.s32 $0x2, s5;
	s12 =	sadd.s32 $0xA10, s7;
	[dreg:$0x6] =	wrdreg s11  }
0xe: {  	s2 =	sshrl.u32 @!p0 s1, $0x3;
	s13 =	sadd.s32 $0xA20, s7;
	[dreg:$0x7] =	wrdreg s12  }
0xf: {  	s10 =	simm.s32 $0x6B00;
	s14 =	sadd.s32 $0xA30, s7;
	[dreg:$0x8] =	wrdreg s13  }
0x10: {  	s26 =	simm.s32 $0x5800;
	s15 =	sadd.s32 $0xA40, s7;
	[dreg:$0x9] =	wrdreg s14  }
0x11: {  	s24 =	sshrl.u32 s5, $0x1;
	s16 =	sadd.s32 $0xA50, s7;
	[dreg:$0xa] =	wrdreg s15  }
0x12: {  	s5 =	ssub.s32 s5, s24;
	s17 =	sadd.s32 $0xA60, s7;
	[dreg:$0xb] =	wrdreg s16  }
0x13: {  	s24 =	smax.u32 s5, $0x1;
	s18 =	sadd.s32 $0xA70, s7;
	[dreg:$0xc] =	wrdreg s17  }
0x14: {  	s5 =	simm.s32 $0x80;
	s19 =	sadd.s32 $0xA80, s7;
	[dreg:$0xd] =	wrdreg s18  }
0x15: {  	s4 =	sadd.s32 s8, s4;
	s20 =	sadd.s32 $0xA90, s7;
	[dreg:$0xe] =	wrdreg s19  }
0x16: {  	s8 =	simm.s32 $0x6A00;
	s22 =	sadd.s32 $0xAA0, s7;
	[dreg:$0xf] =	wrdreg s20  }
0x17: {  	s0 =	sadd.s32 $0xFFFFFFFF, s24;
	s23 =	sadd.s32 $0xAB0, s7;
	[dreg:$0x10] =	wrdreg s22  }
0x18: {  	s24 =	simm.s32 $0x4800;
	s25 =	sadd.s32 $0xAC0, s7;
	[dreg:$0x11] =	wrdreg s23  }
0x19: {  	s4 =	sadd.s32 $0xD2400, s4;
	s6 =	simm.s32 $0x6900;
	[dreg:$0x12] =	wrdreg s25  }
0x1a: {  	s7 =	simm.s32 $0x6980;
	p2 =	sne.s32 s0, $0x0;
	[dreg:$0x13] =	wrdreg s4  }
.Ltmp0:
0x1b: {  	s16 =	simm.s32 $0x6800;
	s14 =	simm.s32 $0x6880;
	(pc) =	sbr.rel @!p2 .LBB2_5-.Ltmp0, $4  }
0x1c: {  	s11 =	simm.s32 $0x6B80;
	s12 =	simm.s32 $0x6C00;
	s13 =	simm.s32 $0x6C80  }
0x1d: {  	s15 =	simm.s32 $0x6D00;
	s17 =	simm.s32 $0x6D80;
	s19 =	simm.s32 $0x1800  }
0x1e: {  	s18 =	simm.s32 $0x6E00;
	s4 =	simm.s32 $0x1;
	s22 =	simm.s32 $0x3800  }
0x1f: {  	s23 =	simm.s32 $0x4000;
	s25 =	simm.s32 $0x5000;
	[dreg:$0x17] =	wrdreg s19  }
0x20: {  	s21 =	smov.u32 s0  }
0x21: {  	s0 =	rddreg [dreg:$0x4];
	s30 =	simm.s32 @!p0 $0x1C02;
	s29 =	simm.s32 @!p0 $0x2  }
0x22: {  	[spmem:s2], [sflag:s30] =	dma.local @!p0 [hbm:s0], $0xFA0  }
0x23: {  	_ =	swait.ge @!p0 [sflag:s29], $0xFA0  }
0x24: {  	[sflag:s29] =	ssyncset.done @!p0 $0x0  }
0x25: {  	[sflag:s29] =	ssyncadd.s32 @!p0 $0xFFFFF060  }
0x26: {  	[bflag:$0x0] =	sbarrier.arrive $0xFFFF  }
0x27: {  	s0 =	rddreg [dreg:$0x5]  }
0x28: {  	s31 =	rddreg [dreg:$0x14]  }
0x29: {  	s19 =	rddreg [dreg:$0x6]  }
0x2a: {  	[dreg:$0x18] =	wrdreg s19  }
0x2b: {  	[tilespmem:s3], [sflag:$0x1] =	stream.strided.gather [hbm4b:s0+s31], $0x6800, s5, s31, $0x38;
	[tilespmem:$0x7650] =	vst v63  }
0x2c: {  	s19 =	rddreg [dreg:$0x18]  }
0x2d: {  	[tilespmem:s16], [sflag:$0x1] =	stream.linear.gather [hbm4b:s19+s3], $0x80, $0x38;
	[tilespmem:$0x7650] =	vst v63  }
0x2e: {  	s0 =	rddreg [dreg:$0x7]  }
0x2f: {  	[tilespmem:s14], [sflag:$0x1] =	stream.linear.gather [hbm4b:s0+s3], $0x80, $0x38;
	[tilespmem:$0x7650] =	vst v63  }
0x30: {  	s31 =	rddreg [dreg:$0x8]  }
0x31: {  	[tilespmem:s6], [sflag:$0x1] =	stream.linear.gather [hbm4b:s31+s3], $0x80, $0x38;
	[tilespmem:$0x7650] =	vst v63  }
0x32: {  	s19 =	rddreg [dreg:$0x9]  }
0x33: {  	[tilespmem:s7], [sflag:$0x1] =	stream.linear.gather [hbm4b:s19+s3], $0x80, $0x38;
	[tilespmem:$0x7650] =	vst v63  }
0x34: {  	s31 =	rddreg [dreg:$0xa]  }
0x35: {  	[tilespmem:s8], [sflag:$0x1] =	stream.linear.gather [hbm4b:s31+s3], $0x80, $0x38;
	[tilespmem:$0x7650] =	vst v63  }
0x36: {  	s19 =	rddreg [dreg:$0xb]  }
0x37: {  	[tilespmem:s9], [sflag:$0x1] =	stream.linear.gather [hbm4b:s19+s3], $0x80, $0x38;
	[tilespmem:$0x7650] =	vst v63  }
0x38: {  	s31 =	rddreg [dreg:$0xc]  }
0x39: {  	[tilespmem:s10], [sflag:$0x1] =	stream.linear.gather [hbm4b:s31+s3], $0x80, $0x38;
	[tilespmem:$0x7650] =	vst v63  }
0x3a: {  	s19 =	rddreg [dreg:$0xd]  }
0x3b: {  	[tilespmem:s11], [sflag:$0x1] =	stream.linear.gather [hbm4b:s19+s3], $0x80, $0x38;
	[tilespmem:$0x7650] =	vst v63  }
0x3c: {  	s31 =	rddreg [dreg:$0xe]  }
0x3d: {  	[tilespmem:s12], [sflag:$0x1] =	stream.linear.gather [hbm4b:s31+s3], $0x80, $0x38;
	[tilespmem:$0x7650] =	vst v63  }
0x3e: {  	s19 =	rddreg [dreg:$0xf]  }
0x3f: {  	[tilespmem:s13], [sflag:$0x1] =	stream.linear.gather [hbm4b:s19+s3], $0x80, $0x38;
	[tilespmem:$0x7650] =	vst v63  }
0x40: {  	s31 =	rddreg [dreg:$0x10]  }
0x41: {  	[tilespmem:s15], [sflag:$0x1] =	stream.linear.gather [hbm4b:s31+s3], $0x80, $0x38;
	[tilespmem:$0x7650] =	vst v63  }
0x42: {  	s19 =	rddreg [dreg:$0x11]  }
0x43: {  	[tilespmem:s17], [sflag:$0x1] =	stream.linear.gather [hbm4b:s19+s3], $0x80, $0x38;
	[tilespmem:$0x7650] =	vst v63  }
0x44: {  	s31 =	rddreg [dreg:$0x12]  }
0x45: {  	[tilespmem:s18], [sflag:$0x1] =	stream.linear.gather [hbm4b:s31+s3], $0x80, $0x38;
	[tilespmem:$0x7650] =	vst v63  }
0x46: {  	_ =	swait.ge [sflag:s4], $0x6800  }
0x47: {  	[sflag:s4] =	ssyncset.done $0x0  }
0x48: {  	[sflag:s4] =	ssyncadd.s32 $0xFFFF9800  }
0x49: {  	_ =	swait.ge [sflag:s4], $0x80  }
0x4a: {  	[sflag:s4] =	ssyncset.done $0x0  }
0x4b: {  	[sflag:s4] =	ssyncadd.s32 $0xFFFFFF80  }
0x4c: {  	_ =	swait.ge [sflag:s4], $0x80  }
0x4d: {  	[sflag:s4] =	ssyncset.done $0x0  }
0x4e: {  	[sflag:s4] =	ssyncadd.s32 $0xFFFFFF80  }
0x4f: {  	_ =	swait.ge [sflag:s4], $0x80  }
0x50: {  	[sflag:s4] =	ssyncset.done $0x0  }
0x51: {  	[sflag:s4] =	ssyncadd.s32 $0xFFFFFF80  }
0x52: {  	_ =	swait.ge [sflag:s4], $0x80  }
0x53: {  	[sflag:s4] =	ssyncset.done $0x0  }
0x54: {  	[sflag:s4] =	ssyncadd.s32 $0xFFFFFF80  }
0x55: {  	_ =	swait.ge [sflag:s4], $0x80  }
0x56: {  	[sflag:s4] =	ssyncset.done $0x0  }
0x57: {  	[sflag:s4] =	ssyncadd.s32 $0xFFFFFF80  }
0x58: {  	_ =	swait.ge [sflag:s4], $0x80  }
0x59: {  	[sflag:s4] =	ssyncset.done $0x0  }
0x5a: {  	[sflag:s4] =	ssyncadd.s32 $0xFFFFFF80  }
0x5b: {  	_ =	swait.ge [sflag:s4], $0x80  }
0x5c: {  	[sflag:s4] =	ssyncset.done $0x0  }
0x5d: {  	[sflag:s4] =	ssyncadd.s32 $0xFFFFFF80  }
0x5e: {  	_ =	swait.ge [sflag:s4], $0x80  }
0x5f: {  	[sflag:s4] =	ssyncset.done $0x0  }
0x60: {  	[sflag:s4] =	ssyncadd.s32 $0xFFFFFF80  }
0x61: {  	_ =	swait.ge [sflag:s4], $0x80  }
0x62: {  	[sflag:s4] =	ssyncset.done $0x0  }
0x63: {  	[sflag:s4] =	ssyncadd.s32 $0xFFFFFF80  }
0x64: {  	_ =	swait.ge [sflag:s4], $0x80  }
0x65: {  	[sflag:s4] =	ssyncset.done $0x0  }
0x66: {  	[sflag:s4] =	ssyncadd.s32 $0xFFFFFF80  }
0x67: {  	_ =	swait.ge [sflag:s4], $0x80  }
0x68: {  	[sflag:s4] =	ssyncset.done $0x0  }
0x69: {  	[sflag:s4] =	ssyncadd.s32 $0xFFFFFF80  }
0x6a: {  	_ =	swait.ge [sflag:s4], $0x80  }
0x6b: {  	[sflag:s4] =	ssyncset.done $0x0  }
0x6c: {  	[sflag:s4] =	ssyncadd.s32 $0xFFFFFF80  }
0x6d: {  	_ =	swait.ge [sflag:s4], $0x80  }
0x6e: {  	[sflag:s4] =	ssyncset.done $0x0  }
0x6f: {  	[sflag:s4] =	ssyncadd.s32 $0xFFFFFF80  }
0x70: {  	[spmem:s1] =	stream.indirect.scatter.add.f32 [tilespmem:s3], [sflag:$0x1], $0x10, s16, s5, $0xb8;
	[tilespmem:$0x7650] =	vst v63  }
0x71: {  	s19 =	rddreg [dreg:$0x15]  }
0x72: {  	[spmem:s1] =	stream.indirect.scatter.add.f32 [tilespmem:s19], [sflag:$0x1], $0x10, s14, s5, $0xb8;
	[tilespmem:$0x7650] =	vst v63  }
0x73: {  	s31 =	rddreg [dreg:$0x16]  }
0x74: {  	[spmem:s1] =	stream.indirect.scatter.add.f32 [tilespmem:s31], [sflag:$0x1], $0x10, s6, s5, $0xb8;
	[tilespmem:$0x7650] =	vst v63  }
0x75: {  	s19 =	rddreg [dreg:$0x17]  }
0x76: {  	[spmem:s1] =	stream.indirect.scatter.add.f32 [tilespmem:s19], [sflag:$0x1], $0x10, s7, s5, $0xb8;
	[tilespmem:$0x7650] =	vst v63  }
0x77: {  	s20 =	simm.s32 $0x2000  }
0x78: {  	[spmem:s1] =	stream.indirect.scatter.add.f32 [tilespmem:s20], [sflag:$0x1], $0x10, s8, s5, $0xb8;
	[tilespmem:$0x7650] =	vst v63  }
0x79: {  	s19 =	simm.s32 $0x2800  }
0x7a: {  	[spmem:s1] =	stream.indirect.scatter.add.f32 [tilespmem:s19], [sflag:$0x1], $0x10, s9, s5, $0xb8;
	[tilespmem:$0x7650] =	vst v63  }
0x7b: {  	s20 =	simm.s32 $0x3000  }
0x7c: {  	[spmem:s1] =	stream.indirect.scatter.add.f32 [tilespmem:s20], [sflag:$0x1], $0x10, s10, s5, $0xb8;
	[tilespmem:$0x7650] =	vst v63  }
0x7d: {  	_ = 	snop  }
0x7e: {  	[spmem:s1] =	stream.indirect.scatter.add.f32 [tilespmem:s22], [sflag:$0x1], $0x10, s11, s5, $0xb8;
	[tilespmem:$0x7650] =	vst v63  }
0x7f: {  	_ = 	snop  }
0x80: {  	[spmem:s1] =	stream.indirect.scatter.add.f32 [tilespmem:s23], [sflag:$0x1], $0x10, s12, s5, $0xb8;
	[tilespmem:$0x7650] =	vst v63  }
0x81: {  	_ = 	snop  }
0x82: {  	[spmem:s1] =	stream.indirect.scatter.add.f32 [tilespmem:s24], [sflag:$0x1], $0x10, s13, s5, $0xb8;
	[tilespmem:$0x7650] =	vst v63  }
0x83: {  	_ = 	snop  }
0x84: {  	[spmem:s1] =	stream.indirect.scatter.add.f32 [tilespmem:s25], [sflag:$0x1], $0x10, s15, s5, $0xb8;
	[tilespmem:$0x7650] =	vst v63  }
0x85: {  	_ = 	snop  }
0x86: {  	[spmem:s1] =	stream.indirect.scatter.add.f32 [tilespmem:s26], [sflag:$0x1], $0x10, s17, s5, $0xb8;
	[tilespmem:$0x7650] =	vst v63  }
0x87: {  	_ = 	snop  }
0x88: {  	[spmem:s1] =	stream.indirect.scatter.add.f32 [tilespmem:s28], [sflag:$0x1], $0x10, s18, s5, $0xb8;
	[tilespmem:$0x7650] =	vst v63  }
0x89: {  	_ =	swait.ge [sflag:s4], $0x800  }
0x8a: {  	[sflag:s4] =	ssyncset.done $0x0  }
0x8b: {  	[sflag:s4] =	ssyncadd.s32 $0xFFFFF800  }
0x8c: {  	_ =	swait.ge [sflag:s4], $0x800  }
0x8d: {  	[sflag:s4] =	ssyncset.done $0x0  }
0x8e: {  	[sflag:s4] =	ssyncadd.s32 $0xFFFFF800  }
0x8f: {  	_ =	swait.ge [sflag:s4], $0x800  }
0x90: {  	[sflag:s4] =	ssyncset.done $0x0  }
0x91: {  	[sflag:s4] =	ssyncadd.s32 $0xFFFFF800  }
0x92: {  	_ =	swait.ge [sflag:s4], $0x800  }
0x93: {  	[sflag:s4] =	ssyncset.done $0x0  }
0x94: {  	[sflag:s4] =	ssyncadd.s32 $0xFFFFF800  }
0x95: {  	_ =	swait.ge [sflag:s4], $0x800  }
0x96: {  	[sflag:s4] =	ssyncset.done $0x0  }
0x97: {  	[sflag:s4] =	ssyncadd.s32 $0xFFFFF800  }
0x98: {  	_ =	swait.ge [sflag:s4], $0x800  }
0x99: {  	[sflag:s4] =	ssyncset.done $0x0  }
0x9a: {  	[sflag:s4] =	ssyncadd.s32 $0xFFFFF800  }
0x9b: {  	_ =	swait.ge [sflag:s4], $0x800  }
0x9c: {  	[sflag:s4] =	ssyncset.done $0x0  }
0x9d: {  	[sflag:s4] =	ssyncadd.s32 $0xFFFFF800  }
0x9e: {  	_ =	swait.ge [sflag:s4], $0x800  }
0x9f: {  	[sflag:s4] =	ssyncset.done $0x0  }
0xa0: {  	[sflag:s4] =	ssyncadd.s32 $0xFFFFF800  }
0xa1: {  	_ =	swait.ge [sflag:s4], $0x800  }
0xa2: {  	[sflag:s4] =	ssyncset.done $0x0  }
0xa3: {  	[sflag:s4] =	ssyncadd.s32 $0xFFFFF800  }
0xa4: {  	_ =	swait.ge [sflag:s4], $0x800  }
0xa5: {  	[sflag:s4] =	ssyncset.done $0x0  }
0xa6: {  	[sflag:s4] =	ssyncadd.s32 $0xFFFFF800  }
0xa7: {  	_ =	swait.ge [sflag:s4], $0x800  }
0xa8: {  	[sflag:s4] =	ssyncset.done $0x0  }
0xa9: {  	[sflag:s4] =	ssyncadd.s32 $0xFFFFF800  }
0xaa: {  	_ =	swait.ge [sflag:s4], $0x800  }
0xab: {  	[sflag:s4] =	ssyncset.done $0x0  }
0xac: {  	[sflag:s4] =	ssyncadd.s32 $0xFFFFF800  }
0xad: {  	s31 =	sadd.s32 $0xFFFFFFFF, s21;
	_ =	swait.ge [sflag:s4], $0x800  }
0xae: {  	p2 =	sne.s32 s31, $0x0;
	[sflag:s4] =	ssyncset.done $0x0  }
.Ltmp1:
0xaf: {  	[sflag:s4] =	ssyncadd.s32 $0xFFFFF800;
	(pc) =	sbr.rel @!p2 .LBB2_2-.Ltmp1, $4  }
0xb0: {  	[bflag:$0x0] =	sbarrier.arrive $0xFFFF  }
0xb1: {  	s0 =	rddreg [dreg:$0x13]  }
0xb2: {  	[hbm:s0], [sflag:s30] =	dma.local @!p0 [spmem:s2], $0xFA0  }
0xb3: {  	p1 =	por $0x1, $0x1;
	_ =	swait.ge @!p0 [sflag:s29], $0xFA0  }
.LBB2_3:
0xb4: {  	[sflag:s29] =	ssyncset.done @!p0 $0x0  }
0xb5: {  	s0 =	rddreg [dreg:$0x4];
	[sflag:s29] =	ssyncadd.s32 @!p0 $0xFFFFF060  }
0xb6: {  	[spmem:s2], [sflag:s30] =	dma.local @!p0 [hbm:s0], $0xFA0  }
0xb7: {  	_ =	swait.ge @!p0 [sflag:s29], $0xFA0  }
0xb8: {  	[sflag:s29] =	ssyncset.done @!p0 $0x0  }
0xb9: {  	[sflag:s29] =	ssyncadd.s32 @!p0 $0xFFFFF060  }
0xba: {  	[bflag:$0x0] =	sbarrier.arrive $0xFFFF  }
0xbb: {  	s0 =	rddreg [dreg:$0x5]  }
0xbc: {  	s19 =	rddreg [dreg:$0x14]  }
0xbd: {  	[tilespmem:s3], [sflag:$0x1] =	stream.strided.gather [hbm4b:s0+s19], $0x6800, s5, s19, $0x38;
	[tilespmem:$0x7650] =	vst v63  }
0xbe: {  	s20 =	rddreg [dreg:$0x6]  }
0xbf: {  	[tilespmem:s16], [sflag:$0x1] =	stream.linear.gather [hbm4b:s20+s3], $0x80, $0x38;
	[tilespmem:$0x7650] =	vst v63  }
0xc0: {  	s21 =	rddreg [dreg:$0x7]  }
0xc1: {  	[tilespmem:s14], [sflag:$0x1] =	stream.linear.gather [hbm4b:s21+s3], $0x80, $0x38;
	[tilespmem:$0x7650] =	vst v63  }
0xc2: {  	s0 =	rddreg [dreg:$0x8]  }
0xc3: {  	[tilespmem:s6], [sflag:$0x1] =	stream.linear.gather [hbm4b:s0+s3], $0x80, $0x38;
	[tilespmem:$0x7650] =	vst v63  }
0xc4: {  	s19 =	rddreg [dreg:$0x9]  }
0xc5: {  	[tilespmem:s7], [sflag:$0x1] =	stream.linear.gather [hbm4b:s19+s3], $0x80, $0x38;
	[tilespmem:$0x7650] =	vst v63  }
0xc6: {  	s20 =	rddreg [dreg:$0xa]  }
0xc7: {  	[tilespmem:s8], [sflag:$0x1] =	stream.linear.gather [hbm4b:s20+s3], $0x80, $0x38;
	[tilespmem:$0x7650] =	vst v63  }
0xc8: {  	s0 =	rddreg [dreg:$0xb]  }
0xc9: {  	[tilespmem:s9], [sflag:$0x1] =	stream.linear.gather [hbm4b:s0+s3], $0x80, $0x38;
	[tilespmem:$0x7650] =	vst v63  }
0xca: {  	s21 =	rddreg [dreg:$0xc]  }
0xcb: {  	[tilespmem:s10], [sflag:$0x1] =	stream.linear.gather [hbm4b:s21+s3], $0x80, $0x38;
	[tilespmem:$0x7650] =	vst v63  }
0xcc: {  	s20 =	rddreg [dreg:$0xd]  }
0xcd: {  	[tilespmem:s11], [sflag:$0x1] =	stream.linear.gather [hbm4b:s20+s3], $0x80, $0x38;
	[tilespmem:$0x7650] =	vst v63  }
0xce: {  	s0 =	rddreg [dreg:$0xe]  }
0xcf: {  	[tilespmem:s12], [sflag:$0x1] =	stream.linear.gather [hbm4b:s0+s3], $0x80, $0x38;
	[tilespmem:$0x7650] =	vst v63  }
0xd0: {  	s21 =	rddreg [dreg:$0xf]  }
0xd1: {  	[tilespmem:s13], [sflag:$0x1] =	stream.linear.gather [hbm4b:s21+s3], $0x80, $0x38;
	[tilespmem:$0x7650] =	vst v63  }
0xd2: {  	s20 =	rddreg [dreg:$0x10]  }
0xd3: {  	[tilespmem:s15], [sflag:$0x1] =	stream.linear.gather [hbm4b:s20+s3], $0x80, $0x38;
	[tilespmem:$0x7650] =	vst v63  }
0xd4: {  	s0 =	rddreg [dreg:$0x11]  }
0xd5: {  	[tilespmem:s17], [sflag:$0x1] =	stream.linear.gather [hbm4b:s0+s3], $0x80, $0x38;
	[tilespmem:$0x7650] =	vst v63  }
0xd6: {  	s21 =	rddreg [dreg:$0x12]  }
0xd7: {  	[tilespmem:s18], [sflag:$0x1] =	stream.linear.gather [hbm4b:s21+s3], $0x80, $0x38;
	[tilespmem:$0x7650] =	vst v63  }
0xd8: {  	_ =	swait.ge [sflag:s4], $0x6800  }
0xd9: {  	[sflag:s4] =	ssyncset.done $0x0  }
0xda: {  	[sflag:s4] =	ssyncadd.s32 $0xFFFF9800  }
0xdb: {  	_ =	swait.ge [sflag:s4], $0x80  }
0xdc: {  	[sflag:s4] =	ssyncset.done $0x0  }
0xdd: {  	[sflag:s4] =	ssyncadd.s32 $0xFFFFFF80  }
0xde: {  	_ =	swait.ge [sflag:s4], $0x80  }
0xdf: {  	[sflag:s4] =	ssyncset.done $0x0  }
0xe0: {  	[sflag:s4] =	ssyncadd.s32 $0xFFFFFF80  }
0xe1: {  	_ =	swait.ge [sflag:s4], $0x80  }
0xe2: {  	[sflag:s4] =	ssyncset.done $0x0  }
0xe3: {  	[sflag:s4] =	ssyncadd.s32 $0xFFFFFF80  }
0xe4: {  	_ =	swait.ge [sflag:s4], $0x80  }
0xe5: {  	[sflag:s4] =	ssyncset.done $0x0  }
0xe6: {  	[sflag:s4] =	ssyncadd.s32 $0xFFFFFF80  }
0xe7: {  	_ =	swait.ge [sflag:s4], $0x80  }
0xe8: {  	[sflag:s4] =	ssyncset.done $0x0  }
0xe9: {  	[sflag:s4] =	ssyncadd.s32 $0xFFFFFF80  }
0xea: {  	_ =	swait.ge [sflag:s4], $0x80  }
0xeb: {  	[sflag:s4] =	ssyncset.done $0x0  }
0xec: {  	[sflag:s4] =	ssyncadd.s32 $0xFFFFFF80  }
0xed: {  	_ =	swait.ge [sflag:s4], $0x80  }
0xee: {  	[sflag:s4] =	ssyncset.done $0x0  }
0xef: {  	[sflag:s4] =	ssyncadd.s32 $0xFFFFFF80  }
0xf0: {  	_ =	swait.ge [sflag:s4], $0x80  }
0xf1: {  	[sflag:s4] =	ssyncset.done $0x0  }
0xf2: {  	[sflag:s4] =	ssyncadd.s32 $0xFFFFFF80  }
0xf3: {  	_ =	swait.ge [sflag:s4], $0x80  }
0xf4: {  	[sflag:s4] =	ssyncset.done $0x0  }
0xf5: {  	[sflag:s4] =	ssyncadd.s32 $0xFFFFFF80  }
0xf6: {  	_ =	swait.ge [sflag:s4], $0x80  }
0xf7: {  	[sflag:s4] =	ssyncset.done $0x0  }
0xf8: {  	[sflag:s4] =	ssyncadd.s32 $0xFFFFFF80  }
0xf9: {  	_ =	swait.ge [sflag:s4], $0x80  }
0xfa: {  	[sflag:s4] =	ssyncset.done $0x0  }
0xfb: {  	[sflag:s4] =	ssyncadd.s32 $0xFFFFFF80  }
0xfc: {  	_ =	swait.ge [sflag:s4], $0x80  }
0xfd: {  	[sflag:s4] =	ssyncset.done $0x0  }
0xfe: {  	[sflag:s4] =	ssyncadd.s32 $0xFFFFFF80  }
0xff: {  	_ =	swait.ge [sflag:s4], $0x80  }
0x100: {  	[sflag:s4] =	ssyncset.done $0x0  }
0x101: {  	[sflag:s4] =	ssyncadd.s32 $0xFFFFFF80  }
0x102: {  	[spmem:s1] =	stream.indirect.scatter.add.f32 [tilespmem:s3], [sflag:$0x1], $0x10, s16, s5, $0xb8;
	[tilespmem:$0x7650] =	vst v63  }
0x103: {  	s19 =	rddreg [dreg:$0x15]  }
0x104: {  	[spmem:s1] =	stream.indirect.scatter.add.f32 [tilespmem:s19], [sflag:$0x1], $0x10, s14, s5, $0xb8;
	[tilespmem:$0x7650] =	vst v63  }
0x105: {  	s20 =	rddreg [dreg:$0x16]  }
0x106: {  	[spmem:s1] =	stream.indirect.scatter.add.f32 [tilespmem:s20], [sflag:$0x1], $0x10, s6, s5, $0xb8;
	[tilespmem:$0x7650] =	vst v63  }
0x107: {  	s21 =	rddreg [dreg:$0x17]  }
0x108: {  	[spmem:s1] =	stream.indirect.scatter.add.f32 [tilespmem:s21], [sflag:$0x1], $0x10, s7, s5, $0xb8;
	[tilespmem:$0x7650] =	vst v63  }
0x109: {  	s19 =	simm.s32 $0x2000  }
0x10a: {  	[spmem:s1] =	stream.indirect.scatter.add.f32 [tilespmem:s19], [sflag:$0x1], $0x10, s8, s5, $0xb8;
	[tilespmem:$0x7650] =	vst v63  }
0x10b: {  	s20 =	simm.s32 $0x2800  }
0x10c: {  	[spmem:s1] =	stream.indirect.scatter.add.f32 [tilespmem:s20], [sflag:$0x1], $0x10, s9, s5, $0xb8;
	[tilespmem:$0x7650] =	vst v63  }
0x10d: {  	s21 =	simm.s32 $0x3000  }
0x10e: {  	[spmem:s1] =	stream.indirect.scatter.add.f32 [tilespmem:s21], [sflag:$0x1], $0x10, s10, s5, $0xb8;
	[tilespmem:$0x7650] =	vst v63  }
0x10f: {  	_ = 	snop  }
0x110: {  	[spmem:s1] =	stream.indirect.scatter.add.f32 [tilespmem:s22], [sflag:$0x1], $0x10, s11, s5, $0xb8;
	[tilespmem:$0x7650] =	vst v63  }
0x111: {  	_ = 	snop  }
0x112: {  	[spmem:s1] =	stream.indirect.scatter.add.f32 [tilespmem:s23], [sflag:$0x1], $0x10, s12, s5, $0xb8;
	[tilespmem:$0x7650] =	vst v63  }
0x113: {  	_ = 	snop  }
0x114: {  	[spmem:s1] =	stream.indirect.scatter.add.f32 [tilespmem:s24], [sflag:$0x1], $0x10, s13, s5, $0xb8;
	[tilespmem:$0x7650] =	vst v63  }
0x115: {  	_ = 	snop  }
0x116: {  	[spmem:s1] =	stream.indirect.scatter.add.f32 [tilespmem:s25], [sflag:$0x1], $0x10, s15, s5, $0xb8;
	[tilespmem:$0x7650] =	vst v63  }
0x117: {  	_ = 	snop  }
0x118: {  	[spmem:s1] =	stream.indirect.scatter.add.f32 [tilespmem:s26], [sflag:$0x1], $0x10, s17, s5, $0xb8;
	[tilespmem:$0x7650] =	vst v63  }
0x119: {  	_ = 	snop  }
0x11a: {  	[spmem:s1] =	stream.indirect.scatter.add.f32 [tilespmem:s28], [sflag:$0x1], $0x10, s18, s5, $0xb8;
	[tilespmem:$0x7650] =	vst v63  }
0x11b: {  	_ =	swait.ge [sflag:s4], $0x800  }
0x11c: {  	[sflag:s4] =	ssyncset.done $0x0  }
0x11d: {  	[sflag:s4] =	ssyncadd.s32 $0xFFFFF800  }
0x11e: {  	_ =	swait.ge [sflag:s4], $0x800  }
0x11f: {  	[sflag:s4] =	ssyncset.done $0x0  }
0x120: {  	[sflag:s4] =	ssyncadd.s32 $0xFFFFF800  }
0x121: {  	_ =	swait.ge [sflag:s4], $0x800  }
0x122: {  	[sflag:s4] =	ssyncset.done $0x0  }
0x123: {  	[sflag:s4] =	ssyncadd.s32 $0xFFFFF800  }
0x124: {  	_ =	swait.ge [sflag:s4], $0x800  }
0x125: {  	[sflag:s4] =	ssyncset.done $0x0  }
0x126: {  	[sflag:s4] =	ssyncadd.s32 $0xFFFFF800  }
0x127: {  	_ =	swait.ge [sflag:s4], $0x800  }
0x128: {  	[sflag:s4] =	ssyncset.done $0x0  }
0x129: {  	[sflag:s4] =	ssyncadd.s32 $0xFFFFF800  }
0x12a: {  	_ =	swait.ge [sflag:s4], $0x800  }
0x12b: {  	[sflag:s4] =	ssyncset.done $0x0  }
0x12c: {  	[sflag:s4] =	ssyncadd.s32 $0xFFFFF800  }
0x12d: {  	_ =	swait.ge [sflag:s4], $0x800  }
0x12e: {  	[sflag:s4] =	ssyncset.done $0x0  }
0x12f: {  	[sflag:s4] =	ssyncadd.s32 $0xFFFFF800  }
0x130: {  	_ =	swait.ge [sflag:s4], $0x800  }
0x131: {  	[sflag:s4] =	ssyncset.done $0x0  }
0x132: {  	[sflag:s4] =	ssyncadd.s32 $0xFFFFF800  }
0x133: {  	_ =	swait.ge [sflag:s4], $0x800  }
0x134: {  	[sflag:s4] =	ssyncset.done $0x0  }
0x135: {  	[sflag:s4] =	ssyncadd.s32 $0xFFFFF800  }
0x136: {  	_ =	swait.ge [sflag:s4], $0x800  }
0x137: {  	[sflag:s4] =	ssyncset.done $0x0  }
0x138: {  	[sflag:s4] =	ssyncadd.s32 $0xFFFFF800  }
0x139: {  	_ =	swait.ge [sflag:s4], $0x800  }
0x13a: {  	[sflag:s4] =	ssyncset.done $0x0  }
0x13b: {  	[sflag:s4] =	ssyncadd.s32 $0xFFFFF800  }
0x13c: {  	_ =	swait.ge [sflag:s4], $0x800  }
0x13d: {  	[sflag:s4] =	ssyncset.done $0x0  }
0x13e: {  	[sflag:s4] =	ssyncadd.s32 $0xFFFFF800  }
0x13f: {  	s31 =	sadd.s32 $0xFFFFFFFF, s31;
	_ =	swait.ge [sflag:s4], $0x800  }
0x140: {  	p2 =	sne.s32 s31, $0x0;
	[sflag:s4] =	ssyncset.done $0x0  }
.Ltmp2:
0x141: {  	[sflag:s4] =	ssyncadd.s32 $0xFFFFF800;
	(pc) =	sbr.rel @p2 .LBB2_3-.Ltmp2, $4  }
0x142: {  	[bflag:$0x0] =	sbarrier.arrive $0xFFFF  }
0x143: {  	s0 =	rddreg [dreg:$0x13]  }
0x144: {  	[hbm:s0], [sflag:s30] =	dma.local @!p0 [spmem:s2], $0xFA0  }
0x145: {  	_ =	swait.ge @!p0 [sflag:s29], $0xFA0  }
0x146: {  	s21 =	rddreg [dreg:$0x3]  }
.LBB2_5:
0x147: {  	p1 =	por p0, !p1  }
0x148: {  	s0 =	rddreg [dreg:$0x4];
	[sflag:s29] =	ssyncset.done @!p1 $0x0  }
0x149: {  	s19 =	simm.s32 @!p0 $0x1C02;
	[sflag:s29] =	ssyncadd.s32 @!p1 $0xFFFFF060;
	s29 =	simm.s32 @!p0 $0x2  }
0x14a: {  	[spmem:s2], [sflag:s19] =	dma.local @!p0 [hbm:s0], $0xFA0  }
0x14b: {  	_ =	swait.ge @!p0 [sflag:s29], $0xFA0  }
0x14c: {  	[sflag:s29] =	ssyncset.done @!p0 $0x0  }
0x14d: {  	[sflag:s29] =	ssyncadd.s32 @!p0 $0xFFFFF060  }
0x14e: {  	[bflag:$0x0] =	sbarrier.arrive $0xFFFF  }
0x14f: {  	s0 =	rddreg [dreg:$0x5]  }
0x150: {  	s19 =	rddreg [dreg:$0x14]  }
0x151: {  	[tilespmem:s3], [sflag:$0x1] =	stream.strided.gather [hbm4b:s0+s19], $0x6800, s5, s19, $0x38;
	[tilespmem:$0x7650] =	vst v63  }
0x152: {  	s20 =	rddreg [dreg:$0x6]  }
0x153: {  	[tilespmem:s16], [sflag:$0x1] =	stream.linear.gather [hbm4b:s20+s3], $0x80, $0x38;
	[tilespmem:$0x7650] =	vst v63  }
0x154: {  	s19 =	rddreg [dreg:$0x7]  }
0x155: {  	[tilespmem:s14], [sflag:$0x1] =	stream.linear.gather [hbm4b:s19+s3], $0x80, $0x38;
	[tilespmem:$0x7650] =	vst v63  }
0x156: {  	s20 =	rddreg [dreg:$0x8]  }
0x157: {  	[tilespmem:s6], [sflag:$0x1] =	stream.linear.gather [hbm4b:s20+s3], $0x80, $0x38;
	[tilespmem:$0x7650] =	vst v63  }
0x158: {  	s0 =	rddreg [dreg:$0x9]  }
0x159: {  	[tilespmem:s7], [sflag:$0x1] =	stream.linear.gather [hbm4b:s0+s3], $0x80, $0x38;
	[tilespmem:$0x7650] =	vst v63  }
0x15a: {  	s20 =	rddreg [dreg:$0xa]  }
0x15b: {  	[tilespmem:s8], [sflag:$0x1] =	stream.linear.gather [hbm4b:s20+s3], $0x80, $0x38;
	[tilespmem:$0x7650] =	vst v63  }
0x15c: {  	s0 =	rddreg [dreg:$0xb]  }
0x15d: {  	[tilespmem:s9], [sflag:$0x1] =	stream.linear.gather [hbm4b:s0+s3], $0x80, $0x38;
	[tilespmem:$0x7650] =	vst v63  }
0x15e: {  	s20 =	rddreg [dreg:$0xc]  }
0x15f: {  	[tilespmem:s10], [sflag:$0x1] =	stream.linear.gather [hbm4b:s20+s3], $0x80, $0x38;
	[tilespmem:$0x7650] =	vst v63  }
0x160: {  	s0 =	rddreg [dreg:$0xd]  }
0x161: {  	[tilespmem:s11], [sflag:$0x1] =	stream.linear.gather [hbm4b:s0+s3], $0x80, $0x38;
	[tilespmem:$0x7650] =	vst v63  }
0x162: {  	s20 =	rddreg [dreg:$0xe]  }
0x163: {  	[tilespmem:s12], [sflag:$0x1] =	stream.linear.gather [hbm4b:s20+s3], $0x80, $0x38;
	[tilespmem:$0x7650] =	vst v63  }
0x164: {  	s0 =	rddreg [dreg:$0xf]  }
0x165: {  	[tilespmem:s13], [sflag:$0x1] =	stream.linear.gather [hbm4b:s0+s3], $0x80, $0x38;
	[tilespmem:$0x7650] =	vst v63  }
0x166: {  	s20 =	rddreg [dreg:$0x10]  }
0x167: {  	[tilespmem:s15], [sflag:$0x1] =	stream.linear.gather [hbm4b:s20+s3], $0x80, $0x38;
	[tilespmem:$0x7650] =	vst v63  }
0x168: {  	s0 =	rddreg [dreg:$0x11]  }
0x169: {  	[tilespmem:s17], [sflag:$0x1] =	stream.linear.gather [hbm4b:s0+s3], $0x80, $0x38;
	[tilespmem:$0x7650] =	vst v63  }
0x16a: {  	s20 =	rddreg [dreg:$0x12]  }
0x16b: {  	[tilespmem:s18], [sflag:$0x1] =	stream.linear.gather [hbm4b:s20+s3], $0x80, $0x38;
	[tilespmem:$0x7650] =	vst v63  }
0x16c: {  	_ =	swait.ge [sflag:s4], $0x6800  }
0x16d: {  	[sflag:s4] =	ssyncset.done $0x0  }
0x16e: {  	[sflag:s4] =	ssyncadd.s32 $0xFFFF9800  }
0x16f: {  	_ =	swait.ge [sflag:s4], $0x80  }
0x170: {  	[sflag:s4] =	ssyncset.done $0x0  }
0x171: {  	[sflag:s4] =	ssyncadd.s32 $0xFFFFFF80  }
0x172: {  	_ =	swait.ge [sflag:s4], $0x80  }
0x173: {  	[sflag:s4] =	ssyncset.done $0x0  }
0x174: {  	[sflag:s4] =	ssyncadd.s32 $0xFFFFFF80  }
0x175: {  	_ =	swait.ge [sflag:s4], $0x80  }
0x176: {  	[sflag:s4] =	ssyncset.done $0x0  }
0x177: {  	[sflag:s4] =	ssyncadd.s32 $0xFFFFFF80  }
0x178: {  	_ =	swait.ge [sflag:s4], $0x80  }
0x179: {  	[sflag:s4] =	ssyncset.done $0x0  }
0x17a: {  	[sflag:s4] =	ssyncadd.s32 $0xFFFFFF80  }
0x17b: {  	_ =	swait.ge [sflag:s4], $0x80  }
0x17c: {  	[sflag:s4] =	ssyncset.done $0x0  }
0x17d: {  	[sflag:s4] =	ssyncadd.s32 $0xFFFFFF80  }
0x17e: {  	_ =	swait.ge [sflag:s4], $0x80  }
0x17f: {  	[sflag:s4] =	ssyncset.done $0x0  }
0x180: {  	[sflag:s4] =	ssyncadd.s32 $0xFFFFFF80  }
0x181: {  	_ =	swait.ge [sflag:s4], $0x80  }
0x182: {  	[sflag:s4] =	ssyncset.done $0x0  }
0x183: {  	[sflag:s4] =	ssyncadd.s32 $0xFFFFFF80  }
0x184: {  	_ =	swait.ge [sflag:s4], $0x80  }
0x185: {  	[sflag:s4] =	ssyncset.done $0x0  }
0x186: {  	[sflag:s4] =	ssyncadd.s32 $0xFFFFFF80  }
0x187: {  	_ =	swait.ge [sflag:s4], $0x80  }
0x188: {  	[sflag:s4] =	ssyncset.done $0x0  }
0x189: {  	[sflag:s4] =	ssyncadd.s32 $0xFFFFFF80  }
0x18a: {  	_ =	swait.ge [sflag:s4], $0x80  }
0x18b: {  	[sflag:s4] =	ssyncset.done $0x0  }
0x18c: {  	[sflag:s4] =	ssyncadd.s32 $0xFFFFFF80  }
0x18d: {  	_ =	swait.ge [sflag:s4], $0x80  }
0x18e: {  	[sflag:s4] =	ssyncset.done $0x0  }
0x18f: {  	[sflag:s4] =	ssyncadd.s32 $0xFFFFFF80  }
0x190: {  	_ =	swait.ge [sflag:s4], $0x80  }
0x191: {  	[sflag:s4] =	ssyncset.done $0x0  }
0x192: {  	[sflag:s4] =	ssyncadd.s32 $0xFFFFFF80  }
0x193: {  	_ =	swait.ge [sflag:s4], $0x80  }
0x194: {  	[sflag:s4] =	ssyncset.done $0x0  }
0x195: {  	[sflag:s4] =	ssyncadd.s32 $0xFFFFFF80  }
0x196: {  	[spmem:s1] =	stream.indirect.scatter.add.f32 [tilespmem:s3], [sflag:$0x1], $0x10, s16, s5, $0xb8;
	[tilespmem:$0x7650] =	vst v63  }
0x197: {  	s20 =	rddreg [dreg:$0x15]  }
0x198: {  	[spmem:s1] =	stream.indirect.scatter.add.f32 [tilespmem:s20], [sflag:$0x1], $0x10, s14, s5, $0xb8;
	[tilespmem:$0x7650] =	vst v63  }
0x199: {  	s19 =	rddreg [dreg:$0x16]  }
0x19a: {  	[spmem:s1] =	stream.indirect.scatter.add.f32 [tilespmem:s19], [sflag:$0x1], $0x10, s6, s5, $0xb8;
	[tilespmem:$0x7650] =	vst v63  }
0x19b: {  	s20 =	rddreg [dreg:$0x17]  }
0x19c: {  	[spmem:s1] =	stream.indirect.scatter.add.f32 [tilespmem:s20], [sflag:$0x1], $0x10, s7, s5, $0xb8;
	[tilespmem:$0x7650] =	vst v63  }
0x19d: {  	s31 =	simm.s32 $0x2000  }
0x19e: {  	[spmem:s1] =	stream.indirect.scatter.add.f32 [tilespmem:s31], [sflag:$0x1], $0x10, s8, s5, $0xb8;
	[tilespmem:$0x7650] =	vst v63  }
0x19f: {  	s30 =	simm.s32 $0x2800  }
0x1a0: {  	[spmem:s1] =	stream.indirect.scatter.add.f32 [tilespmem:s30], [sflag:$0x1], $0x10, s9, s5, $0xb8;
	[tilespmem:$0x7650] =	vst v63  }
0x1a1: {  	s31 =	simm.s32 $0x3000  }
0x1a2: {  	[spmem:s1] =	stream.indirect.scatter.add.f32 [tilespmem:s31], [sflag:$0x1], $0x10, s10, s5, $0xb8;
	[tilespmem:$0x7650] =	vst v63  }
0x1a3: {  	_ = 	snop  }
0x1a4: {  	[spmem:s1] =	stream.indirect.scatter.add.f32 [tilespmem:s22], [sflag:$0x1], $0x10, s11, s5, $0xb8;
	[tilespmem:$0x7650] =	vst v63  }
0x1a5: {  	_ = 	snop  }
0x1a6: {  	[spmem:s1] =	stream.indirect.scatter.add.f32 [tilespmem:s23], [sflag:$0x1], $0x10, s12, s5, $0xb8;
	[tilespmem:$0x7650] =	vst v63  }
0x1a7: {  	_ = 	snop  }
0x1a8: {  	[spmem:s1] =	stream.indirect.scatter.add.f32 [tilespmem:s24], [sflag:$0x1], $0x10, s13, s5, $0xb8;
	[tilespmem:$0x7650] =	vst v63  }
0x1a9: {  	_ = 	snop  }
0x1aa: {  	[spmem:s1] =	stream.indirect.scatter.add.f32 [tilespmem:s25], [sflag:$0x1], $0x10, s15, s5, $0xb8;
	[tilespmem:$0x7650] =	vst v63  }
0x1ab: {  	_ = 	snop  }
0x1ac: {  	[spmem:s1] =	stream.indirect.scatter.add.f32 [tilespmem:s26], [sflag:$0x1], $0x10, s17, s5, $0xb8;
	[tilespmem:$0x7650] =	vst v63  }
0x1ad: {  	_ = 	snop  }
0x1ae: {  	[spmem:s1] =	stream.indirect.scatter.add.f32 [tilespmem:s28], [sflag:$0x1], $0x10, s18, s5, $0xb8;
	[tilespmem:$0x7650] =	vst v63  }
0x1af: {  	_ =	swait.ge [sflag:s4], $0x800  }
0x1b0: {  	[sflag:s4] =	ssyncset.done $0x0  }
0x1b1: {  	[sflag:s4] =	ssyncadd.s32 $0xFFFFF800  }
0x1b2: {  	_ =	swait.ge [sflag:s4], $0x800  }
0x1b3: {  	[sflag:s4] =	ssyncset.done $0x0  }
0x1b4: {  	[sflag:s4] =	ssyncadd.s32 $0xFFFFF800  }
0x1b5: {  	_ =	swait.ge [sflag:s4], $0x800  }
0x1b6: {  	[sflag:s4] =	ssyncset.done $0x0  }
0x1b7: {  	[sflag:s4] =	ssyncadd.s32 $0xFFFFF800  }
0x1b8: {  	_ =	swait.ge [sflag:s4], $0x800  }
0x1b9: {  	[sflag:s4] =	ssyncset.done $0x0  }
0x1ba: {  	[sflag:s4] =	ssyncadd.s32 $0xFFFFF800  }
0x1bb: {  	_ =	swait.ge [sflag:s4], $0x800  }
0x1bc: {  	[sflag:s4] =	ssyncset.done $0x0  }
0x1bd: {  	[sflag:s4] =	ssyncadd.s32 $0xFFFFF800  }
0x1be: {  	_ =	swait.ge [sflag:s4], $0x800  }
0x1bf: {  	[sflag:s4] =	ssyncset.done $0x0  }
0x1c0: {  	[sflag:s4] =	ssyncadd.s32 $0xFFFFF800  }
0x1c1: {  	_ =	swait.ge [sflag:s4], $0x800  }
0x1c2: {  	[sflag:s4] =	ssyncset.done $0x0  }
0x1c3: {  	[sflag:s4] =	ssyncadd.s32 $0xFFFFF800  }
0x1c4: {  	_ =	swait.ge [sflag:s4], $0x800  }
0x1c5: {  	[sflag:s4] =	ssyncset.done $0x0  }
0x1c6: {  	[sflag:s4] =	ssyncadd.s32 $0xFFFFF800  }
0x1c7: {  	_ =	swait.ge [sflag:s4], $0x800  }
0x1c8: {  	[sflag:s4] =	ssyncset.done $0x0  }
0x1c9: {  	[sflag:s4] =	ssyncadd.s32 $0xFFFFF800  }
0x1ca: {  	_ =	swait.ge [sflag:s4], $0x800  }
0x1cb: {  	[sflag:s4] =	ssyncset.done $0x0  }
0x1cc: {  	[sflag:s4] =	ssyncadd.s32 $0xFFFFF800  }
0x1cd: {  	_ =	swait.ge [sflag:s4], $0x800  }
0x1ce: {  	[sflag:s4] =	ssyncset.done $0x0  }
0x1cf: {  	[sflag:s4] =	ssyncadd.s32 $0xFFFFF800  }
0x1d0: {  	_ =	swait.ge [sflag:s4], $0x800  }
0x1d1: {  	[sflag:s4] =	ssyncset.done $0x0  }
0x1d2: {  	[sflag:s4] =	ssyncadd.s32 $0xFFFFF800  }
0x1d3: {  	_ =	swait.ge [sflag:s4], $0x800  }
0x1d4: {  	[sflag:s4] =	ssyncset.done $0x0  }
0x1d5: {  	[sflag:s4] =	ssyncadd.s32 $0xFFFFF800  }
0x1d6: {  	[bflag:$0x0] =	sbarrier.arrive $0xFFFF  }
0x1d7: {  	s1 =	simm.s32 @!p0 $0x1C02;
	s0 =	rddreg [dreg:$0x13]  }
0x1d8: {  	[hbm:s0], [sflag:s1] =	dma.local @!p0 [spmem:s2], $0xFA0  }
0x1d9: {  	_ =	swait.ge @!p0 [sflag:s29], $0xFA0  }
0x1da: {  	[sflag:s29] =	ssyncset.done @!p0 $0x0  }
0x1db: {  	[sflag:s29] =	ssyncadd.s32 @!p0 $0xFFFFF060  }
0x1dc: {  	_ =	sfence.sel $0x180000  }
0x1dd: {  	[bflag:$0x0] =	sbarrier.arrive $0xFFFF  }
0x1de: {  	_ =	strace $0x90000047  }
0x1df: {  	s0 =	sadd.s32 @!p0 $0x100000, s21;
	[bflag:$0x2] =	sbarrier.arrive $0xFFFF  }
0x1e0: {  	[sflag:s0] =	ssyncadd.tile.s32 @!p0 $0x1;
	_ =	shalt  }
.LBB2_2:
.Ltmp3:
0x1e1: {  	(pc) =	sbr.rel .LBB2_5-.Ltmp3, $2  }
0x1e2: {  	_ =	sdelay $0x2  }
0x1e3: {  	s21 =	rddreg [dreg:$0x3]  }
.Lfunc_end2:
_tile_overlayer_lowered:
.L_overlay_start_2:
0x1e4: {  	(tag) =	ssettag $0x2  }
0x1e5: {  	s0 =	rddreg [dreg:$0x0];
	s2 =	stileid.u32  }
0x1e6: {  	s1 =	rddreg [dreg:$0x1];
	p0 =	sne.s32 s2, $0x0  }
0x1e7: {  	s3 =	rddreg [dreg:$0x2];
	[bflag:$0x3] =	sbarrier.arrive $0xFFFF;
	s2 =	simm.s32 @!p0 $0x1C02  }
0x1e8: {  	[timem:s3], [sflag:s2] =	dma.local @!p0 [hbm:s0], s1  }
0x1e9: {  	s0 =	simm.s32 @!p0 $0x2  }
0x1ea: {  	_ =	swait.ge @!p0 [sflag:s0], s1  }
0x1eb: {  	s1 =	ssub.s32 @!p0 $0x0, s1;
	[sflag:s0] =	ssyncset.done @!p0 $0x0  }
0x1ec: {  	[sflag:s0] =	ssyncadd.s32 @!p0 s1  }
0x1ed: {  	[bflag:$0x3] =	sbarrier.arrive $0xFFFF  }
0x1ee: {  	_ =	shalt  }

</sc_bundles>
